<compile_context>
chip_gen: v7x
topology: tpu7x:2x2x1
jax: 0.10.2.dev20260603
libtpu: 0.0.44.dev20260713+nightly
codegen_flags: <defaults>
</compile_context>

<pallas_src>
import jax
import jax.numpy as jnp
from jax import lax
from jax.experimental import pallas as pl
from jax.experimental.pallas import tpu as pltpu
from jax.experimental.pallas import tpu_sc as plsc

_BATCH = 16384
_SEQ = 200
_KMERS = 1024
_NW = 32
_UR = 8
_UC = 1024
_NCOLB = _BATCH // _UC
_UNITS = (_SEQ // _UR) * _NCOLB
_KMAIN = _UNITS // _NW
_NEXTRA = _UNITS - _KMAIN * _NW
_NBUF = 3
_GROUPS = _UR * _UC // 16
_GPR = _UC // 16
_LANES = 16


def _gather_kernel(idx_hbm, table_hbm, out_hbm, tab_v, idx_v, out_v,
                   in_sems, out_sems):
    wid = lax.axis_index("s") * 2 + lax.axis_index("c")
    nk = jnp.where(wid < _NEXTRA, _KMAIN + 1, _KMAIN)

    def _unit_slices(u):
        r0 = (u // _NCOLB) * _UR
        c0 = (u % _NCOLB) * _UC
        return pl.ds(r0, _UR), pl.ds(c0, _UC)

    def _start_in(k, off, sem):
        rs, cs = _unit_slices(wid + k * _NW)
        pltpu.async_copy(idx_hbm.at[rs, cs], idx_v.at[pl.ds(off, _UR)], sem)

    for bb in range(_NBUF):
        _start_in(bb, bb * _UR, in_sems.at[bb])

    pltpu.sync_copy(table_hbm, tab_v)

    def _exp_body(i):
        sl = pl.ds(i * _LANES, _LANES)
        tab_v[sl] = jnp.exp(tab_v[sl])

    pl.loop(0, _KMERS // _LANES)(_exp_body)

    def _round(k):
        b = k % _NBUF
        off = b * _UR
        rs, cs = _unit_slices(wid + k * _NW)
        pltpu.make_async_copy(idx_hbm.at[rs, cs],
                              idx_v.at[pl.ds(off, _UR)],
                              in_sems.at[b]).wait()

        @pl.when(k >= _NBUF)
        def _wait_prev_store():
            rp, cp = _unit_slices(wid + (k - _NBUF) * _NW)
            pltpu.make_async_copy(out_v.at[pl.ds(off, _UR)],
                                  out_hbm.at[rp, cp], out_sems.at[b]).wait()

        def _group_body(g):
            r = off + (g // _GPR)
            sl = pl.ds((g % _GPR) * _LANES, _LANES)
            out_v[r, sl] = plsc.load_gather(tab_v, [idx_v[r, sl]])

        plsc.parallel_loop(0, _GROUPS, unroll=8)(_group_body)

        pltpu.async_copy(out_v.at[pl.ds(off, _UR)], out_hbm.at[rs, cs],
                         out_sems.at[b])

        @pl.when(k + _NBUF < nk)
        def _start_next():
            _start_in(k + _NBUF, off, in_sems.at[b])

    pl.loop(0, nk)(_round)

    for b in range(_NBUF):
        rs, cs = _unit_slices(wid + b * _NW)
        pltpu.make_async_copy(out_v.at[pl.ds(b * _UR, _UR)],
                              out_hbm.at[rs, cs], out_sems.at[b]).wait()


@jax.jit
def kernel(encoded_parents, masks, kmer_embedding):
    del masks
    idx_t = encoded_parents.T
    table_flat = kmer_embedding.reshape(_KMERS)

    mesh = plsc.VectorSubcoreMesh(core_axis_name="c", subcore_axis_name="s")
    out_t = pl.kernel(
        _gather_kernel,
        mesh=mesh,
        out_type=jax.ShapeDtypeStruct((_SEQ, _BATCH), jnp.float32),
        scratch_types=[
            pltpu.VMEM((_KMERS,), jnp.float32),
            pltpu.VMEM((_NBUF * _UR, _UC), jnp.int32),
            pltpu.VMEM((_NBUF * _UR, _UC), jnp.float32),
            pltpu.SemaphoreType.DMA((_NBUF,)),
            pltpu.SemaphoreType.DMA((_NBUF,)),
        ],
        compiler_params=pltpu.CompilerParams(needs_layout_passes=False,
                                             use_tc_tiling_on_sc=True),
    )(idx_t, table_flat)
    return out_t.T

# --- scband reference (transcript-rebuilt; emitter-appended) ---
"""Pipeline reference for scband-fivemer-model-77464030150795 (READ-ONLY COPY).

The authoritative reference and input builder live on the scoring server;
editing this copy changes nothing except your own understanding.
"""

import jax, jax.numpy as jnp
import numpy as np

BATCH = 16384
SEQ = 200
KMER_COUNT = 1024  # 4**5 fivemers


def setup_inputs(seed: int = 0) -> dict:
    key = jax.random.key(seed)
    k1, k2 = jax.random.split(key)
    encoded_parents = jax.random.randint(k1, (BATCH, SEQ), 0, KMER_COUNT, dtype=jnp.int32)
    masks = jnp.ones((BATCH, SEQ), dtype=bool)
    # learned parameter: nn.Embedding(kmer_count, 1) weight
    kmer_embedding = jax.random.normal(k2, (KMER_COUNT, 1), dtype=jnp.float32) * 0.1
    return {"encoded_parents": encoded_parents, "masks": masks, "kmer_embedding": kmer_embedding}


def reference(encoded_parents, masks, kmer_embedding):
    # log_kmer_rates = self.kmer_embedding(encoded_parents).squeeze()
    log_kmer_rates = jnp.squeeze(jnp.take(kmer_embedding, encoded_parents, axis=0), axis=-1)
    # rates = torch.exp(log_kmer_rates); masks unused in the original forward
    rates = jnp.exp(log_kmer_rates)
    return rates

if __name__ == "__main__":
    import jax
    _d = setup_inputs()
    print(jax.jit(kernel)(*tuple(_d.values())))

</pallas_src>

<mosaic_0001>
#map = affine_map<(d0, d1) -> (0, 0)>
#map1 = affine_map<(d0, d1) -> (0)>
module attributes {stable_mosaic.version = 14 : i64} {
  func.func @_gather_kernel(%arg0: i32, %arg1: i32, %arg2: memref<200x16384xi32, #tpu.memory_space<hbm>>, %arg3: memref<1024xf32, #tpu.memory_space<hbm>>, %arg4: memref<200x16384xf32, #tpu.memory_space<hbm>>, %arg5: memref<1024xf32, #tpu.memory_space<vmem>>, %arg6: memref<24x1024xi32, #tpu.memory_space<vmem>>, %arg7: memref<24x1024xf32, #tpu.memory_space<vmem>>, %arg8: memref<3x!tpu.dma_semaphore, #tpu.memory_space<semaphore_mem>>, %arg9: memref<3x!tpu.dma_semaphore, #tpu.memory_space<semaphore_mem>>) attributes {dimension_semantics = [#tpu.dimension_semantics<core_parallel>, #tpu.dimension_semantics<subcore_parallel>], iteration_bounds = array<i64: 2, 16>, scalar_prefetch = 0 : i64, scratch_operands = 5 : i64, tpu.core_type = #tpu.core_type<sc_vector_subcore>, window_params = [{transform_indices = #map}, {transform_indices = #map1}, {transform_indices = #map}]} {
    %mul3A = arith.constant 2 : i32
    %mul3A_0 = arith.muli %arg1, %mul3A : i32
    %add3A = arith.addi %mul3A_0, %arg0 : i32
    %lt3A = arith.constant 16 : i32
    %lt3A_1 = arith.cmpi slt, %add3A, %lt3A : i32
    %jit3A = arith.constant 13 : i32
    %jit3A_2 = arith.constant 12 : i32
    %select_n3A = arith.select %lt3A_1, %jit3A, %jit3A_2 : i32
    %add3A_3 = arith.constant 0 : i32
    %add3A_4 = arith.addi %add3A, %add3A_3 : i32
    %jit3A_5 = arith.constant 16 : i32
    %div3A = arith.divsi %add3A_4, %jit3A_5 : i32
    %sign3A = arith.constant 0 : i32
    %sign3A_6 = arith.cmpi sgt, %add3A_4, %sign3A : i32
    %sign3A_7 = arith.extui %sign3A_6 : i1 to i32
    %sign3A_8 = arith.constant 0 : i32
    %sign3A_9 = arith.cmpi slt, %add3A_4, %sign3A_8 : i32
    %sign3A_10 = arith.extui %sign3A_9 : i1 to i32
    %sign3A_11 = arith.subi %sign3A_7, %sign3A_10 : i32
    %sign3A_12 = arith.constant 0 : i32
    %sign3A_13 = arith.cmpi sgt, %jit3A_5, %sign3A_12 : i32
    %sign3A_14 = arith.extui %sign3A_13 : i1 to i32
    %sign3A_15 = arith.constant 0 : i32
    %sign3A_16 = arith.cmpi slt, %jit3A_5, %sign3A_15 : i32
    %sign3A_17 = arith.extui %sign3A_16 : i1 to i32
    %sign3A_18 = arith.subi %sign3A_14, %sign3A_17 : i32
    %ne3A = arith.cmpi ne, %sign3A_11, %sign3A_18 : i32
    %rem3A = arith.remsi %add3A_4, %jit3A_5 : i32
    %ne3A_19 = arith.constant 0 : i32
    %ne3A_20 = arith.cmpi ne, %rem3A, %ne3A_19 : i32
    %and3A = arith.andi %ne3A, %ne3A_20 : i1
    %sub3A = arith.constant 1 : i32
    %sub3A_21 = arith.subi %div3A, %sub3A : i32
    %select_n3A_22 = arith.select %and3A, %sub3A_21, %div3A : i32
    %mul3A_23 = arith.constant 8 : i32
    %mul3A_24 = arith.muli %select_n3A_22, %mul3A_23 : i32
    %jit3A_25 = arith.constant 16 : i32
    %eq3A = arith.constant 0 : i32
    %eq3A_26 = arith.cmpi eq, %jit3A_25, %eq3A : i32
    %jit3A_27 = arith.constant 1 : i32
    %select_n3A_28 = arith.select %eq3A_26, %jit3A_27, %jit3A_25 : i32
    %rem3A_29 = arith.remsi %add3A_4, %select_n3A_28 : i32
    %ne3A_30 = arith.constant 0 : i32
    %ne3A_31 = arith.cmpi ne, %rem3A_29, %ne3A_30 : i32
    %lt3A_32 = arith.constant 0 : i32
    %lt3A_33 = arith.cmpi slt, %rem3A_29, %lt3A_32 : i32
    %lt3A_34 = arith.constant 0 : i32
    %lt3A_35 = arith.cmpi slt, %select_n3A_28, %lt3A_34 : i32
    %ne3A_36 = arith.xori %lt3A_33, %lt3A_35 : i1
    %and3A_37 = arith.andi %ne3A_36, %ne3A_31 : i1
    %add3A_38 = arith.addi %rem3A_29, %select_n3A_28 : i32
    %select_n3A_39 = arith.select %and3A_37, %add3A_38, %rem3A_29 : i32
    %mul3A_40 = arith.constant 1024 : i32
    %mul3A_41 = arith.muli %select_n3A_39, %mul3A_40 : i32
    %dma_start3A = arith.constant 0 : i32
    %dma_start3A_42 = arith.constant 0 : i32
    %dma_start3A_43 = arith.constant 0 : i32
    %dma_start3A_44 = tpu.memref_slice %arg6[%dma_start3A_42, %dma_start3A_43] : memref<24x1024xi32, #tpu.memory_space<vmem>> -> memref<8x1024xi32, #tpu.memory_space<vmem>>
    %dma_start3A_45 = tpu.memref_slice %arg2[%mul3A_24, %mul3A_41] : memref<200x16384xi32, #tpu.memory_space<hbm>> -> memref<8x1024xi32, #tpu.memory_space<hbm>>
    %dma_start3A_46 = tpu.memref_slice %arg8[%dma_start3A] : memref<3x!tpu.dma_semaphore, #tpu.memory_space<semaphore_mem>> -> memref<1x!tpu.dma_semaphore, #tpu.memory_space<semaphore_mem>>
    %dma_start3A_47 = tpu.memref_squeeze %dma_start3A_46 : memref<1x!tpu.dma_semaphore, #tpu.memory_space<semaphore_mem>> -> memref<!tpu.dma_semaphore, #tpu.memory_space<semaphore_mem>>
    %dma_start3A_48 = arith.constant 0 : i32
    %dma_start3A_49 = arith.constant 0 : i32
    %dma_start3A_50 = tpu.memref_slice %arg6[%dma_start3A_48, %dma_start3A_49] : memref<24x1024xi32, #tpu.memory_space<vmem>> -> memref<8x1024xi32, #tpu.memory_space<vmem>>
    %dma_start3A_51 = tpu.memref_slice %arg2[%mul3A_24, %mul3A_41] : memref<200x16384xi32, #tpu.memory_space<hbm>> -> memref<8x1024xi32, #tpu.memory_space<hbm>>
    tpu.enqueue_dma source(%dma_start3A_51 : memref<8x1024xi32, #tpu.memory_space<hbm>>) target(%dma_start3A_50 : memref<8x1024xi32, #tpu.memory_space<vmem>>) target_semaphore(%dma_start3A_47 : memref<!tpu.dma_semaphore, #tpu.memory_space<semaphore_mem>>)
    %add3A_52 = arith.constant 32 : i32
    %add3A_53 = arith.addi %add3A, %add3A_52 : i32
    %jit3A_54 = arith.constant 16 : i32
    %div3A_55 = arith.divsi %add3A_53, %jit3A_54 : i32
    %sign3A_56 = arith.constant 0 : i32
    %sign3A_57 = arith.cmpi sgt, %add3A_53, %sign3A_56 : i32
    %sign3A_58 = arith.extui %sign3A_57 : i1 to i32
    %sign3A_59 = arith.constant 0 : i32
    %sign3A_60 = arith.cmpi slt, %add3A_53, %sign3A_59 : i32
    %sign3A_61 = arith.extui %sign3A_60 : i1 to i32
    %sign3A_62 = arith.subi %sign3A_58, %sign3A_61 : i32
    %sign3A_63 = arith.constant 0 : i32
    %sign3A_64 = arith.cmpi sgt, %jit3A_54, %sign3A_63 : i32
    %sign3A_65 = arith.extui %sign3A_64 : i1 to i32
    %sign3A_66 = arith.constant 0 : i32
    %sign3A_67 = arith.cmpi slt, %jit3A_54, %sign3A_66 : i32
    %sign3A_68 = arith.extui %sign3A_67 : i1 to i32
    %sign3A_69 = arith.subi %sign3A_65, %sign3A_68 : i32
    %ne3A_70 = arith.cmpi ne, %sign3A_62, %sign3A_69 : i32
    %rem3A_71 = arith.remsi %add3A_53, %jit3A_54 : i32
    %ne3A_72 = arith.constant 0 : i32
    %ne3A_73 = arith.cmpi ne, %rem3A_71, %ne3A_72 : i32
    %and3A_74 = arith.andi %ne3A_70, %ne3A_73 : i1
    %sub3A_75 = arith.constant 1 : i32
    %sub3A_76 = arith.subi %div3A_55, %sub3A_75 : i32
    %select_n3A_77 = arith.select %and3A_74, %sub3A_76, %div3A_55 : i32
    %mul3A_78 = arith.constant 8 : i32
    %mul3A_79 = arith.muli %select_n3A_77, %mul3A_78 : i32
    %jit3A_80 = arith.constant 16 : i32
    %eq3A_81 = arith.constant 0 : i32
    %eq3A_82 = arith.cmpi eq, %jit3A_80, %eq3A_81 : i32
    %jit3A_83 = arith.constant 1 : i32
    %select_n3A_84 = arith.select %eq3A_82, %jit3A_83, %jit3A_80 : i32
    %rem3A_85 = arith.remsi %add3A_53, %select_n3A_84 : i32
    %ne3A_86 = arith.constant 0 : i32
    %ne3A_87 = arith.cmpi ne, %rem3A_85, %ne3A_86 : i32
    %lt3A_88 = arith.constant 0 : i32
    %lt3A_89 = arith.cmpi slt, %rem3A_85, %lt3A_88 : i32
    %lt3A_90 = arith.constant 0 : i32
    %lt3A_91 = arith.cmpi slt, %select_n3A_84, %lt3A_90 : i32
    %ne3A_92 = arith.xori %lt3A_89, %lt3A_91 : i1
    %and3A_93 = arith.andi %ne3A_92, %ne3A_87 : i1
    %add3A_94 = arith.addi %rem3A_85, %select_n3A_84 : i32
    %select_n3A_95 = arith.select %and3A_93, %add3A_94, %rem3A_85 : i32
    %mul3A_96 = arith.constant 1024 : i32
    %mul3A_97 = arith.muli %select_n3A_95, %mul3A_96 : i32
    %dma_start3A_98 = arith.constant 1 : i32
    %dma_start3A_99 = arith.constant 8 : i32
    %dma_start3A_100 = arith.constant 0 : i32
    %dma_start3A_101 = tpu.memref_slice %arg6[%dma_start3A_99, %dma_start3A_100] : memref<24x1024xi32, #tpu.memory_space<vmem>> -> memref<8x1024xi32, #tpu.memory_space<vmem>>
    %dma_start3A_102 = tpu.memref_slice %arg2[%mul3A_79, %mul3A_97] : memref<200x16384xi32, #tpu.memory_space<hbm>> -> memref<8x1024xi32, #tpu.memory_space<hbm>>
    %dma_start3A_103 = tpu.memref_slice %arg8[%dma_start3A_98] : memref<3x!tpu.dma_semaphore, #tpu.memory_space<semaphore_mem>> -> memref<1x!tpu.dma_semaphore, #tpu.memory_space<semaphore_mem>>
    %dma_start3A_104 = tpu.memref_squeeze %dma_start3A_103 : memref<1x!tpu.dma_semaphore, #tpu.memory_space<semaphore_mem>> -> memref<!tpu.dma_semaphore, #tpu.memory_space<semaphore_mem>>
    %dma_start3A_105 = arith.constant 8 : i32
    %dma_start3A_106 = arith.constant 0 : i32
    %dma_start3A_107 = tpu.memref_slice %arg6[%dma_start3A_105, %dma_start3A_106] : memref<24x1024xi32, #tpu.memory_space<vmem>> -> memref<8x1024xi32, #tpu.memory_space<vmem>>
    %dma_start3A_108 = tpu.memref_slice %arg2[%mul3A_79, %mul3A_97] : memref<200x16384xi32, #tpu.memory_space<hbm>> -> memref<8x1024xi32, #tpu.memory_space<hbm>>
    tpu.enqueue_dma source(%dma_start3A_108 : memref<8x1024xi32, #tpu.memory_space<hbm>>) target(%dma_start3A_107 : memref<8x1024xi32, #tpu.memory_space<vmem>>) target_semaphore(%dma_start3A_104 : memref<!tpu.dma_semaphore, #tpu.memory_space<semaphore_mem>>)
    %add3A_109 = arith.constant 64 : i32
    %add3A_110 = arith.addi %add3A, %add3A_109 : i32
    %jit3A_111 = arith.constant 16 : i32
    %div3A_112 = arith.divsi %add3A_110, %jit3A_111 : i32
    %sign3A_113 = arith.constant 0 : i32
    %sign3A_114 = arith.cmpi sgt, %add3A_110, %sign3A_113 : i32
    %sign3A_115 = arith.extui %sign3A_114 : i1 to i32
    %sign3A_116 = arith.constant 0 : i32
    %sign3A_117 = arith.cmpi slt, %add3A_110, %sign3A_116 : i32
    %sign3A_118 = arith.extui %sign3A_117 : i1 to i32
    %sign3A_119 = arith.subi %sign3A_115, %sign3A_118 : i32
    %sign3A_120 = arith.constant 0 : i32
    %sign3A_121 = arith.cmpi sgt, %jit3A_111, %sign3A_120 : i32
    %sign3A_122 = arith.extui %sign3A_121 : i1 to i32
    %sign3A_123 = arith.constant 0 : i32
    %sign3A_124 = arith.cmpi slt, %jit3A_111, %sign3A_123 : i32
    %sign3A_125 = arith.extui %sign3A_124 : i1 to i32
    %sign3A_126 = arith.subi %sign3A_122, %sign3A_125 : i32
    %ne3A_127 = arith.cmpi ne, %sign3A_119, %sign3A_126 : i32
    %rem3A_128 = arith.remsi %add3A_110, %jit3A_111 : i32
    %ne3A_129 = arith.constant 0 : i32
    %ne3A_130 = arith.cmpi ne, %rem3A_128, %ne3A_129 : i32
    %and3A_131 = arith.andi %ne3A_127, %ne3A_130 : i1
    %sub3A_132 = arith.constant 1 : i32
    %sub3A_133 = arith.subi %div3A_112, %sub3A_132 : i32
    %select_n3A_134 = arith.select %and3A_131, %sub3A_133, %div3A_112 : i32
    %mul3A_135 = arith.constant 8 : i32
    %mul3A_136 = arith.muli %select_n3A_134, %mul3A_135 : i32
    %jit3A_137 = arith.constant 16 : i32
    %eq3A_138 = arith.constant 0 : i32
    %eq3A_139 = arith.cmpi eq, %jit3A_137, %eq3A_138 : i32
    %jit3A_140 = arith.constant 1 : i32
    %select_n3A_141 = arith.select %eq3A_139, %jit3A_140, %jit3A_137 : i32
    %rem3A_142 = arith.remsi %add3A_110, %select_n3A_141 : i32
    %ne3A_143 = arith.constant 0 : i32
    %ne3A_144 = arith.cmpi ne, %rem3A_142, %ne3A_143 : i32
    %lt3A_145 = arith.constant 0 : i32
    %lt3A_146 = arith.cmpi slt, %rem3A_142, %lt3A_145 : i32
    %lt3A_147 = arith.constant 0 : i32
    %lt3A_148 = arith.cmpi slt, %select_n3A_141, %lt3A_147 : i32
    %ne3A_149 = arith.xori %lt3A_146, %lt3A_148 : i1
    %and3A_150 = arith.andi %ne3A_149, %ne3A_144 : i1
    %add3A_151 = arith.addi %rem3A_142, %select_n3A_141 : i32
    %select_n3A_152 = arith.select %and3A_150, %add3A_151, %rem3A_142 : i32
    %mul3A_153 = arith.constant 1024 : i32
    %mul3A_154 = arith.muli %select_n3A_152, %mul3A_153 : i32
    %dma_start3A_155 = arith.constant 2 : i32
    %dma_start3A_156 = arith.constant 16 : i32
    %dma_start3A_157 = arith.constant 0 : i32
    %dma_start3A_158 = tpu.memref_slice %arg6[%dma_start3A_156, %dma_start3A_157] : memref<24x1024xi32, #tpu.memory_space<vmem>> -> memref<8x1024xi32, #tpu.memory_space<vmem>>
    %dma_start3A_159 = tpu.memref_slice %arg2[%mul3A_136, %mul3A_154] : memref<200x16384xi32, #tpu.memory_space<hbm>> -> memref<8x1024xi32, #tpu.memory_space<hbm>>
    %dma_start3A_160 = tpu.memref_slice %arg8[%dma_start3A_155] : memref<3x!tpu.dma_semaphore, #tpu.memory_space<semaphore_mem>> -> memref<1x!tpu.dma_semaphore, #tpu.memory_space<semaphore_mem>>
    %dma_start3A_161 = tpu.memref_squeeze %dma_start3A_160 : memref<1x!tpu.dma_semaphore, #tpu.memory_space<semaphore_mem>> -> memref<!tpu.dma_semaphore, #tpu.memory_space<semaphore_mem>>
    %dma_start3A_162 = arith.constant 16 : i32
    %dma_start3A_163 = arith.constant 0 : i32
    %dma_start3A_164 = tpu.memref_slice %arg6[%dma_start3A_162, %dma_start3A_163] : memref<24x1024xi32, #tpu.memory_space<vmem>> -> memref<8x1024xi32, #tpu.memory_space<vmem>>
    %dma_start3A_165 = tpu.memref_slice %arg2[%mul3A_136, %mul3A_154] : memref<200x16384xi32, #tpu.memory_space<hbm>> -> memref<8x1024xi32, #tpu.memory_space<hbm>>
    tpu.enqueue_dma source(%dma_start3A_165 : memref<8x1024xi32, #tpu.memory_space<hbm>>) target(%dma_start3A_164 : memref<8x1024xi32, #tpu.memory_space<vmem>>) target_semaphore(%dma_start3A_161 : memref<!tpu.dma_semaphore, #tpu.memory_space<semaphore_mem>>)
    "tpu.region"() ({
      %run_scoped3A = tpu.sem_alloc : memref<!tpu.dma_semaphore, #tpu.memory_space<semaphore_mem>>
      tpu.enqueue_dma source(%arg3 : memref<1024xf32, #tpu.memory_space<hbm>>) target(%arg5 : memref<1024xf32, #tpu.memory_space<vmem>>) target_semaphore(%run_scoped3A : memref<!tpu.dma_semaphore, #tpu.memory_space<semaphore_mem>>)
      tpu.wait_dma2 semaphore(%run_scoped3A : memref<!tpu.dma_semaphore, #tpu.memory_space<semaphore_mem>>) src(%arg3 : memref<1024xf32, #tpu.memory_space<hbm>>) dst(%arg5 : memref<1024xf32, #tpu.memory_space<vmem>>)
      tpu.yield
    }) : () -> ()
    %scan3A = arith.constant 0 : i32
    %scan3A_166 = arith.constant 64 : i32
    %scan3A_167 = arith.addi %scan3A, %scan3A_166 : i32
    %scan3A_168 = arith.constant 1 : i32
    scf.for %scan3A_358 = %scan3A to %scan3A_167 step %scan3A_168  : i32 {
      %mul3A_359 = arith.constant 1 : i32
      %mul3A_360 = arith.muli %scan3A_358, %mul3A_359 : i32
      %add3A_361 = arith.constant 0 : i32
      %add3A_362 = arith.addi %add3A_361, %mul3A_360 : i32
      %mul3A_363 = arith.constant 16 : i32
      %mul3A_364 = arith.muli %add3A_362, %mul3A_363 : i32
      %get3A = arith.index_cast %mul3A_364 : i32 to index
      %get3A_365 = tpu.vector_load %arg5[%get3A] {strides = array<i32>} : memref<1024xf32, #tpu.memory_space<vmem>>, vector<16xf32>,
      %exp3A = math.exp %get3A_365 : vector<16xf32>
      %swap3A = arith.index_cast %mul3A_364 : i32 to index
      %swap3A_366 = tpu.vector_load %arg5[%swap3A] {strides = array<i32>} : memref<1024xf32, #tpu.memory_space<vmem>>, vector<16xf32>,
      tpu.vector_store %arg5[%swap3A], %exp3A {strides = array<i32>} : memref<1024xf32, #tpu.memory_space<vmem>>, vector<16xf32>,
    }
    %scan3A_169 = arith.constant 64 : i32
    %sub3A_170 = arith.constant 0 : i32
    %sub3A_171 = arith.subi %select_n3A, %sub3A_170 : i32
    %sub3A_172 = arith.constant 1 : i32
    %sub3A_173 = arith.constant 1 : i32
    %sub3A_174 = arith.subi %sub3A_172, %sub3A_173 : i32
    %add3A_175 = arith.addi %sub3A_171, %sub3A_174 : i32
    %div3A_176 = arith.constant 1 : i32
    %div3A_177 = arith.divsi %add3A_175, %div3A_176 : i32
    %while3A = arith.constant 1 : i32
    %while3A_178 = arith.constant 0 : i32
    %while3A_179 = arith.constant 0 : i32
    %while3A_180 = arith.subi %div3A_177, %while3A_179 : i32
    %while3A_181 = arith.addi %while3A_179, %while3A_180 : i32
    %while3A_182 = arith.constant 1 : i32
    %while3A_183 = arith.divsi %while3A_180, %while3A_182 : i32
    %while3A_184 = arith.muli %while3A_183, %while3A_182 : i32
    %while3A_185 = arith.addi %while3A_179, %while3A_184 : i32
    %while3A_186 = arith.constant 1 : i32
    scf.for %while3A_358 = %while3A_179 to %while3A_185 step %while3A_186  : i32 {
      %mul3A_359 = arith.muli %while3A_358, %while3A : i32
      %add3A_360 = arith.addi %while3A_178, %mul3A_359 : i32
      %jit3A_361 = arith.constant 3 : i32
      %eq3A_362 = arith.constant 0 : i32
      %eq3A_363 = arith.cmpi eq, %jit3A_361, %eq3A_362 : i32
      %jit3A_364 = arith.constant 1 : i32
      %select_n3A_365 = arith.select %eq3A_363, %jit3A_364, %jit3A_361 : i32
      %rem3A_366 = arith.remsi %add3A_360, %select_n3A_365 : i32
      %ne3A_367 = arith.constant 0 : i32
      %ne3A_368 = arith.cmpi ne, %rem3A_366, %ne3A_367 : i32
      %lt3A_369 = arith.constant 0 : i32
      %lt3A_370 = arith.cmpi slt, %rem3A_366, %lt3A_369 : i32
      %lt3A_371 = arith.constant 0 : i32
      %lt3A_372 = arith.cmpi slt, %select_n3A_365, %lt3A_371 : i32
      %ne3A_373 = arith.xori %lt3A_370, %lt3A_372 : i1
      %and3A_374 = arith.andi %ne3A_373, %ne3A_368 : i1
      %add3A_375 = arith.addi %rem3A_366, %select_n3A_365 : i32
      %select_n3A_376 = arith.select %and3A_374, %add3A_375, %rem3A_366 : i32
      %mul3A_377 = arith.constant 8 : i32
      %mul3A_378 = arith.muli %select_n3A_376, %mul3A_377 : i32
      %mul3A_379 = arith.constant 32 : i32
      %mul3A_380 = arith.muli %add3A_360, %mul3A_379 : i32
      %add3A_381 = arith.addi %add3A, %mul3A_380 : i32
      %jit3A_382 = arith.constant 16 : i32
      %div3A_383 = arith.divsi %add3A_381, %jit3A_382 : i32
      %sign3A_384 = arith.constant 0 : i32
      %sign3A_385 = arith.cmpi sgt, %add3A_381, %sign3A_384 : i32
      %sign3A_386 = arith.extui %sign3A_385 : i1 to i32
      %sign3A_387 = arith.constant 0 : i32
      %sign3A_388 = arith.cmpi slt, %add3A_381, %sign3A_387 : i32
      %sign3A_389 = arith.extui %sign3A_388 : i1 to i32
      %sign3A_390 = arith.subi %sign3A_386, %sign3A_389 : i32
      %sign3A_391 = arith.constant 0 : i32
      %sign3A_392 = arith.cmpi sgt, %jit3A_382, %sign3A_391 : i32
      %sign3A_393 = arith.extui %sign3A_392 : i1 to i32
      %sign3A_394 = arith.constant 0 : i32
      %sign3A_395 = arith.cmpi slt, %jit3A_382, %sign3A_394 : i32
      %sign3A_396 = arith.extui %sign3A_395 : i1 to i32
      %sign3A_397 = arith.subi %sign3A_393, %sign3A_396 : i32
      %ne3A_398 = arith.cmpi ne, %sign3A_390, %sign3A_397 : i32
      %rem3A_399 = arith.remsi %add3A_381, %jit3A_382 : i32
      %ne3A_400 = arith.constant 0 : i32
      %ne3A_401 = arith.cmpi ne, %rem3A_399, %ne3A_400 : i32
      %and3A_402 = arith.andi %ne3A_398, %ne3A_401 : i1
      %sub3A_403 = arith.constant 1 : i32
      %sub3A_404 = arith.subi %div3A_383, %sub3A_403 : i32
      %select_n3A_405 = arith.select %and3A_402, %sub3A_404, %div3A_383 : i32
      %mul3A_406 = arith.constant 8 : i32
      %mul3A_407 = arith.muli %select_n3A_405, %mul3A_406 : i32
      %jit3A_408 = arith.constant 16 : i32
      %eq3A_409 = arith.constant 0 : i32
      %eq3A_410 = arith.cmpi eq, %jit3A_408, %eq3A_409 : i32
      %jit3A_411 = arith.constant 1 : i32
      %select_n3A_412 = arith.select %eq3A_410, %jit3A_411, %jit3A_408 : i32
      %rem3A_413 = arith.remsi %add3A_381, %select_n3A_412 : i32
      %ne3A_414 = arith.constant 0 : i32
      %ne3A_415 = arith.cmpi ne, %rem3A_413, %ne3A_414 : i32
      %lt3A_416 = arith.constant 0 : i32
      %lt3A_417 = arith.cmpi slt, %rem3A_413, %lt3A_416 : i32
      %lt3A_418 = arith.constant 0 : i32
      %lt3A_419 = arith.cmpi slt, %select_n3A_412, %lt3A_418 : i32
      %ne3A_420 = arith.xori %lt3A_417, %lt3A_419 : i1
      %and3A_421 = arith.andi %ne3A_420, %ne3A_415 : i1
      %add3A_422 = arith.addi %rem3A_413, %select_n3A_412 : i32
      %select_n3A_423 = arith.select %and3A_421, %add3A_422, %rem3A_413 : i32
      %mul3A_424 = arith.constant 1024 : i32
      %mul3A_425 = arith.muli %select_n3A_423, %mul3A_424 : i32
      %dma_wait3A_426 = arith.constant 0 : i32
      %dma_wait3A_427 = tpu.memref_slice %arg6[%mul3A_378, %dma_wait3A_426] : memref<24x1024xi32, #tpu.memory_space<vmem>> -> memref<8x1024xi32, #tpu.memory_space<vmem>>
      %dma_wait3A_428 = tpu.memref_slice %arg2[%mul3A_407, %mul3A_425] : memref<200x16384xi32, #tpu.memory_space<hbm>> -> memref<8x1024xi32, #tpu.memory_space<hbm>>
      %dma_wait3A_429 = tpu.memref_slice %arg8[%select_n3A_376] : memref<3x!tpu.dma_semaphore, #tpu.memory_space<semaphore_mem>> -> memref<1x!tpu.dma_semaphore, #tpu.memory_space<semaphore_mem>>
      %dma_wait3A_430 = tpu.memref_squeeze %dma_wait3A_429 : memref<1x!tpu.dma_semaphore, #tpu.memory_space<semaphore_mem>> -> memref<!tpu.dma_semaphore, #tpu.memory_space<semaphore_mem>>
      %dma_wait3A_431 = arith.constant 0 : i32
      %dma_wait3A_432 = tpu.memref_slice %arg6[%mul3A_378, %dma_wait3A_431] : memref<24x1024xi32, #tpu.memory_space<vmem>> -> memref<8x1024xi32, #tpu.memory_space<vmem>>
      %dma_wait3A_433 = tpu.memref_slice %arg2[%mul3A_407, %mul3A_425] : memref<200x16384xi32, #tpu.memory_space<hbm>> -> memref<8x1024xi32, #tpu.memory_space<hbm>>
      tpu.wait_dma2 semaphore(%dma_wait3A_430 : memref<!tpu.dma_semaphore, #tpu.memory_space<semaphore_mem>>) src(%dma_wait3A_433 : memref<8x1024xi32, #tpu.memory_space<hbm>>) dst(%dma_wait3A_432 : memref<8x1024xi32, #tpu.memory_space<vmem>>)
      %ge3A = arith.constant 3 : i32
      %ge3A_434 = arith.cmpi sge, %add3A_360, %ge3A : i32
      %convert_element_type3A = arith.extui %ge3A_434 : i1 to i32
      %cond3A = arith.constant 0 : i32
      %cond3A_435 = arith.cmpi ne, %convert_element_type3A, %cond3A : i32
      scf.if %cond3A_435 {
        %sub3A_452 = arith.constant 3 : i32
        %sub3A_453 = arith.subi %add3A_360, %sub3A_452 : i32
        %mul3A_454 = arith.constant 32 : i32
        %mul3A_455 = arith.muli %sub3A_453, %mul3A_454 : i32
        %add3A_456 = arith.addi %add3A, %mul3A_455 : i32
        %jit3A_457 = arith.constant 16 : i32
        %div3A_458 = arith.divsi %add3A_456, %jit3A_457 : i32
        %sign3A_459 = arith.constant 0 : i32
        %sign3A_460 = arith.cmpi sgt, %add3A_456, %sign3A_459 : i32
        %sign3A_461 = arith.extui %sign3A_460 : i1 to i32
        %sign3A_462 = arith.constant 0 : i32
        %sign3A_463 = arith.cmpi slt, %add3A_456, %sign3A_462 : i32
        %sign3A_464 = arith.extui %sign3A_463 : i1 to i32
        %sign3A_465 = arith.subi %sign3A_461, %sign3A_464 : i32
        %sign3A_466 = arith.constant 0 : i32
        %sign3A_467 = arith.cmpi sgt, %jit3A_457, %sign3A_466 : i32
        %sign3A_468 = arith.extui %sign3A_467 : i1 to i32
        %sign3A_469 = arith.constant 0 : i32
        %sign3A_470 = arith.cmpi slt, %jit3A_457, %sign3A_469 : i32
        %sign3A_471 = arith.extui %sign3A_470 : i1 to i32
        %sign3A_472 = arith.subi %sign3A_468, %sign3A_471 : i32
        %ne3A_473 = arith.cmpi ne, %sign3A_465, %sign3A_472 : i32
        %rem3A_474 = arith.remsi %add3A_456, %jit3A_457 : i32
        %ne3A_475 = arith.constant 0 : i32
        %ne3A_476 = arith.cmpi ne, %rem3A_474, %ne3A_475 : i32
        %and3A_477 = arith.andi %ne3A_473, %ne3A_476 : i1
        %sub3A_478 = arith.constant 1 : i32
        %sub3A_479 = arith.subi %div3A_458, %sub3A_478 : i32
        %select_n3A_480 = arith.select %and3A_477, %sub3A_479, %div3A_458 : i32
        %mul3A_481 = arith.constant 8 : i32
        %mul3A_482 = arith.muli %select_n3A_480, %mul3A_481 : i32
        %jit3A_483 = arith.constant 16 : i32
        %eq3A_484 = arith.constant 0 : i32
        %eq3A_485 = arith.cmpi eq, %jit3A_483, %eq3A_484 : i32
        %jit3A_486 = arith.constant 1 : i32
        %select_n3A_487 = arith.select %eq3A_485, %jit3A_486, %jit3A_483 : i32
        %rem3A_488 = arith.remsi %add3A_456, %select_n3A_487 : i32
        %ne3A_489 = arith.constant 0 : i32
        %ne3A_490 = arith.cmpi ne, %rem3A_488, %ne3A_489 : i32
        %lt3A_491 = arith.constant 0 : i32
        %lt3A_492 = arith.cmpi slt, %rem3A_488, %lt3A_491 : i32
        %lt3A_493 = arith.constant 0 : i32
        %lt3A_494 = arith.cmpi slt, %select_n3A_487, %lt3A_493 : i32
        %ne3A_495 = arith.xori %lt3A_492, %lt3A_494 : i1
        %and3A_496 = arith.andi %ne3A_495, %ne3A_490 : i1
        %add3A_497 = arith.addi %rem3A_488, %select_n3A_487 : i32
        %select_n3A_498 = arith.select %and3A_496, %add3A_497, %rem3A_488 : i32
        %mul3A_499 = arith.constant 1024 : i32
        %mul3A_500 = arith.muli %select_n3A_498, %mul3A_499 : i32
        %dma_wait3A_501 = arith.constant 0 : i32
        %dma_wait3A_502 = tpu.memref_slice %arg7[%mul3A_378, %dma_wait3A_501] : memref<24x1024xf32, #tpu.memory_space<vmem>> -> memref<8x1024xf32, #tpu.memory_space<vmem>>
        %dma_wait3A_503 = tpu.memref_slice %arg4[%mul3A_482, %mul3A_500] : memref<200x16384xf32, #tpu.memory_space<hbm>> -> memref<8x1024xf32, #tpu.memory_space<hbm>>
        %dma_wait3A_504 = tpu.memref_slice %arg9[%select_n3A_376] : memref<3x!tpu.dma_semaphore, #tpu.memory_space<semaphore_mem>> -> memref<1x!tpu.dma_semaphore, #tpu.memory_space<semaphore_mem>>
        %dma_wait3A_505 = tpu.memref_squeeze %dma_wait3A_504 : memref<1x!tpu.dma_semaphore, #tpu.memory_space<semaphore_mem>> -> memref<!tpu.dma_semaphore, #tpu.memory_space<semaphore_mem>>
        %dma_wait3A_506 = tpu.memref_slice %arg4[%mul3A_482, %mul3A_500] : memref<200x16384xf32, #tpu.memory_space<hbm>> -> memref<8x1024xf32, #tpu.memory_space<hbm>>
        %dma_wait3A_507 = arith.constant 0 : i32
        %dma_wait3A_508 = tpu.memref_slice %arg7[%mul3A_378, %dma_wait3A_507] : memref<24x1024xf32, #tpu.memory_space<vmem>> -> memref<8x1024xf32, #tpu.memory_space<vmem>>
        tpu.wait_dma2 semaphore(%dma_wait3A_505 : memref<!tpu.dma_semaphore, #tpu.memory_space<semaphore_mem>>) src(%dma_wait3A_508 : memref<8x1024xf32, #tpu.memory_space<vmem>>) dst(%dma_wait3A_506 : memref<8x1024xf32, #tpu.memory_space<hbm>>)
      } else {
      }
      %parallel_loop3A = arith.constant 0 : i32
      %parallel_loop3A_436 = arith.constant 512 : i32
      %parallel_loop3A_437 = arith.constant 1 : i32
      scf.for %parallel_loop3A_452 = %parallel_loop3A to %parallel_loop3A_436 step %parallel_loop3A_437  : i32 {
        %parallel_loop3A_453 = arith.constant 64 : i32
        %parallel_loop3A_454 = arith.divsi %parallel_loop3A_452, %parallel_loop3A_453 : i32
        %parallel_loop3A_455 = arith.constant 0 : i32
        %parallel_loop3A_456 = arith.cmpi sgt, %parallel_loop3A_452, %parallel_loop3A_455 : i32
        %parallel_loop3A_457 = arith.extui %parallel_loop3A_456 : i1 to i32
        %parallel_loop3A_458 = arith.constant 0 : i32
        %parallel_loop3A_459 = arith.cmpi slt, %parallel_loop3A_452, %parallel_loop3A_458 : i32
        %parallel_loop3A_460 = arith.extui %parallel_loop3A_459 : i1 to i32
        %parallel_loop3A_461 = arith.subi %parallel_loop3A_457, %parallel_loop3A_460 : i32
        %parallel_loop3A_462 = arith.constant 0 : i32
        %parallel_loop3A_463 = arith.cmpi sgt, %parallel_loop3A_453, %parallel_loop3A_462 : i32
        %parallel_loop3A_464 = arith.extui %parallel_loop3A_463 : i1 to i32
        %parallel_loop3A_465 = arith.constant 0 : i32
        %parallel_loop3A_466 = arith.cmpi slt, %parallel_loop3A_453, %parallel_loop3A_465 : i32
        %parallel_loop3A_467 = arith.extui %parallel_loop3A_466 : i1 to i32
        %parallel_loop3A_468 = arith.subi %parallel_loop3A_464, %parallel_loop3A_467 : i32
        %parallel_loop3A_469 = arith.cmpi ne, %parallel_loop3A_461, %parallel_loop3A_468 : i32
        %parallel_loop3A_470 = arith.remsi %parallel_loop3A_452, %parallel_loop3A_453 : i32
        %parallel_loop3A_471 = arith.constant 0 : i32
        %parallel_loop3A_472 = arith.cmpi ne, %parallel_loop3A_470, %parallel_loop3A_471 : i32
        %parallel_loop3A_473 = arith.andi %parallel_loop3A_469, %parallel_loop3A_472 : i1
        %parallel_loop3A_474 = arith.constant 1 : i32
        %parallel_loop3A_475 = arith.subi %parallel_loop3A_454, %parallel_loop3A_474 : i32
        %parallel_loop3A_476 = arith.select %parallel_loop3A_473, %parallel_loop3A_475, %parallel_loop3A_454 : i32
        %parallel_loop3A_477 = arith.addi %mul3A_378, %parallel_loop3A_476 : i32
        %parallel_loop3A_478 = arith.constant 64 : i32
        %parallel_loop3A_479 = arith.constant 0 : i32
        %parallel_loop3A_480 = arith.cmpi eq, %parallel_loop3A_478, %parallel_loop3A_479 : i32
        %parallel_loop3A_481 = arith.constant 1 : i32
        %parallel_loop3A_482 = arith.select %parallel_loop3A_480, %parallel_loop3A_481, %parallel_loop3A_478 : i32
        %parallel_loop3A_483 = arith.remsi %parallel_loop3A_452, %parallel_loop3A_482 : i32
        %parallel_loop3A_484 = arith.constant 0 : i32
        %parallel_loop3A_485 = arith.cmpi ne, %parallel_loop3A_483, %parallel_loop3A_484 : i32
        %parallel_loop3A_486 = arith.constant 0 : i32
        %parallel_loop3A_487 = arith.cmpi slt, %parallel_loop3A_483, %parallel_loop3A_486 : i32
        %parallel_loop3A_488 = arith.constant 0 : i32
        %parallel_loop3A_489 = arith.cmpi slt, %parallel_loop3A_482, %parallel_loop3A_488 : i32
        %parallel_loop3A_490 = arith.xori %parallel_loop3A_487, %parallel_loop3A_489 : i1
        %parallel_loop3A_491 = arith.andi %parallel_loop3A_490, %parallel_loop3A_485 : i1
        %parallel_loop3A_492 = arith.addi %parallel_loop3A_483, %parallel_loop3A_482 : i32
        %parallel_loop3A_493 = arith.select %parallel_loop3A_491, %parallel_loop3A_492, %parallel_loop3A_483 : i32
        %parallel_loop3A_494 = arith.constant 16 : i32
        %parallel_loop3A_495 = arith.muli %parallel_loop3A_493, %parallel_loop3A_494 : i32
        %parallel_loop3A_496 = arith.index_cast %parallel_loop3A_477 : i32 to index
        %parallel_loop3A_497 = arith.index_cast %parallel_loop3A_495 : i32 to index
        %parallel_loop3A_498 = tpu.vector_load %arg6[%parallel_loop3A_496, %parallel_loop3A_497] {strides = array<i32>} : memref<24x1024xi32, #tpu.memory_space<vmem>>, vector<16xi32>,
        %parallel_loop3A_499 = tpu.vector_load_idx %arg5[%parallel_loop3A_498] : memref<1024xf32, #tpu.memory_space<vmem>>[vector<16xi32>], vector<16xf32>,
        %parallel_loop3A_500 = arith.index_cast %parallel_loop3A_477 : i32 to index
        %parallel_loop3A_501 = arith.index_cast %parallel_loop3A_495 : i32 to index
        %parallel_loop3A_502 = tpu.vector_load %arg7[%parallel_loop3A_500, %parallel_loop3A_501] {strides = array<i32>} : memref<24x1024xf32, #tpu.memory_space<vmem>>, vector<16xf32>,
        tpu.vector_store %arg7[%parallel_loop3A_500, %parallel_loop3A_501], %parallel_loop3A_499 {strides = array<i32>} : memref<24x1024xf32, #tpu.memory_space<vmem>>, vector<16xf32>,
      } {sc.loop_unroll_factor = 8 : i64, sc.parallel_access}
      %dma_start3A_438 = arith.constant 0 : i32
      %dma_start3A_439 = tpu.memref_slice %arg7[%mul3A_378, %dma_start3A_438] : memref<24x1024xf32, #tpu.memory_space<vmem>> -> memref<8x1024xf32, #tpu.memory_space<vmem>>
      %dma_start3A_440 = tpu.memref_slice %arg4[%mul3A_407, %mul3A_425] : memref<200x16384xf32, #tpu.memory_space<hbm>> -> memref<8x1024xf32, #tpu.memory_space<hbm>>
      %dma_start3A_441 = tpu.memref_slice %arg9[%select_n3A_376] : memref<3x!tpu.dma_semaphore, #tpu.memory_space<semaphore_mem>> -> memref<1x!tpu.dma_semaphore, #tpu.memory_space<semaphore_mem>>
      %dma_start3A_442 = tpu.memref_squeeze %dma_start3A_441 : memref<1x!tpu.dma_semaphore, #tpu.memory_space<semaphore_mem>> -> memref<!tpu.dma_semaphore, #tpu.memory_space<semaphore_mem>>
      %dma_start3A_443 = tpu.memref_slice %arg4[%mul3A_407, %mul3A_425] : memref<200x16384xf32, #tpu.memory_space<hbm>> -> memref<8x1024xf32, #tpu.memory_space<hbm>>
      %dma_start3A_444 = arith.constant 0 : i32
      %dma_start3A_445 = tpu.memref_slice %arg7[%mul3A_378, %dma_start3A_444] : memref<24x1024xf32, #tpu.memory_space<vmem>> -> memref<8x1024xf32, #tpu.memory_space<vmem>>
      tpu.enqueue_dma source(%dma_start3A_445 : memref<8x1024xf32, #tpu.memory_space<vmem>>) target(%dma_start3A_443 : memref<8x1024xf32, #tpu.memory_space<hbm>>) target_semaphore(%dma_start3A_442 : memref<!tpu.dma_semaphore, #tpu.memory_space<semaphore_mem>>)
      %add3A_446 = arith.constant 3 : i32
      %add3A_447 = arith.addi %add3A_360, %add3A_446 : i32
      %lt3A_448 = arith.cmpi slt, %add3A_447, %select_n3A : i32
      %convert_element_type3A_449 = arith.extui %lt3A_448 : i1 to i32
      %cond3A_450 = arith.constant 0 : i32
      %cond3A_451 = arith.cmpi ne, %convert_element_type3A_449, %cond3A_450 : i32
      scf.if %cond3A_451 {
        %add3A_452 = arith.constant 3 : i32
        %add3A_453 = arith.addi %add3A_360, %add3A_452 : i32
        %mul3A_454 = arith.constant 32 : i32
        %mul3A_455 = arith.muli %add3A_453, %mul3A_454 : i32
        %add3A_456 = arith.addi %add3A, %mul3A_455 : i32
        %jit3A_457 = arith.constant 16 : i32
        %div3A_458 = arith.divsi %add3A_456, %jit3A_457 : i32
        %sign3A_459 = arith.constant 0 : i32
        %sign3A_460 = arith.cmpi sgt, %add3A_456, %sign3A_459 : i32
        %sign3A_461 = arith.extui %sign3A_460 : i1 to i32
        %sign3A_462 = arith.constant 0 : i32
        %sign3A_463 = arith.cmpi slt, %add3A_456, %sign3A_462 : i32
        %sign3A_464 = arith.extui %sign3A_463 : i1 to i32
        %sign3A_465 = arith.subi %sign3A_461, %sign3A_464 : i32
        %sign3A_466 = arith.constant 0 : i32
        %sign3A_467 = arith.cmpi sgt, %jit3A_457, %sign3A_466 : i32
        %sign3A_468 = arith.extui %sign3A_467 : i1 to i32
        %sign3A_469 = arith.constant 0 : i32
        %sign3A_470 = arith.cmpi slt, %jit3A_457, %sign3A_469 : i32
        %sign3A_471 = arith.extui %sign3A_470 : i1 to i32
        %sign3A_472 = arith.subi %sign3A_468, %sign3A_471 : i32
        %ne3A_473 = arith.cmpi ne, %sign3A_465, %sign3A_472 : i32
        %rem3A_474 = arith.remsi %add3A_456, %jit3A_457 : i32
        %ne3A_475 = arith.constant 0 : i32
        %ne3A_476 = arith.cmpi ne, %rem3A_474, %ne3A_475 : i32
        %and3A_477 = arith.andi %ne3A_473, %ne3A_476 : i1
        %sub3A_478 = arith.constant 1 : i32
        %sub3A_479 = arith.subi %div3A_458, %sub3A_478 : i32
        %select_n3A_480 = arith.select %and3A_477, %sub3A_479, %div3A_458 : i32
        %mul3A_481 = arith.constant 8 : i32
        %mul3A_482 = arith.muli %select_n3A_480, %mul3A_481 : i32
        %jit3A_483 = arith.constant 16 : i32
        %eq3A_484 = arith.constant 0 : i32
        %eq3A_485 = arith.cmpi eq, %jit3A_483, %eq3A_484 : i32
        %jit3A_486 = arith.constant 1 : i32
        %select_n3A_487 = arith.select %eq3A_485, %jit3A_486, %jit3A_483 : i32
        %rem3A_488 = arith.remsi %add3A_456, %select_n3A_487 : i32
        %ne3A_489 = arith.constant 0 : i32
        %ne3A_490 = arith.cmpi ne, %rem3A_488, %ne3A_489 : i32
        %lt3A_491 = arith.constant 0 : i32
        %lt3A_492 = arith.cmpi slt, %rem3A_488, %lt3A_491 : i32
        %lt3A_493 = arith.constant 0 : i32
        %lt3A_494 = arith.cmpi slt, %select_n3A_487, %lt3A_493 : i32
        %ne3A_495 = arith.xori %lt3A_492, %lt3A_494 : i1
        %and3A_496 = arith.andi %ne3A_495, %ne3A_490 : i1
        %add3A_497 = arith.addi %rem3A_488, %select_n3A_487 : i32
        %select_n3A_498 = arith.select %and3A_496, %add3A_497, %rem3A_488 : i32
        %mul3A_499 = arith.constant 1024 : i32
        %mul3A_500 = arith.muli %select_n3A_498, %mul3A_499 : i32
        %dma_start3A_501 = arith.constant 0 : i32
        %dma_start3A_502 = tpu.memref_slice %arg6[%mul3A_378, %dma_start3A_501] : memref<24x1024xi32, #tpu.memory_space<vmem>> -> memref<8x1024xi32, #tpu.memory_space<vmem>>
        %dma_start3A_503 = tpu.memref_slice %arg2[%mul3A_482, %mul3A_500] : memref<200x16384xi32, #tpu.memory_space<hbm>> -> memref<8x1024xi32, #tpu.memory_space<hbm>>
        %dma_start3A_504 = tpu.memref_slice %arg8[%select_n3A_376] : memref<3x!tpu.dma_semaphore, #tpu.memory_space<semaphore_mem>> -> memref<1x!tpu.dma_semaphore, #tpu.memory_space<semaphore_mem>>
        %dma_start3A_505 = tpu.memref_squeeze %dma_start3A_504 : memref<1x!tpu.dma_semaphore, #tpu.memory_space<semaphore_mem>> -> memref<!tpu.dma_semaphore, #tpu.memory_space<semaphore_mem>>
        %dma_start3A_506 = arith.constant 0 : i32
        %dma_start3A_507 = tpu.memref_slice %arg6[%mul3A_378, %dma_start3A_506] : memref<24x1024xi32, #tpu.memory_space<vmem>> -> memref<8x1024xi32, #tpu.memory_space<vmem>>
        %dma_start3A_508 = tpu.memref_slice %arg2[%mul3A_482, %mul3A_500] : memref<200x16384xi32, #tpu.memory_space<hbm>> -> memref<8x1024xi32, #tpu.memory_space<hbm>>
        tpu.enqueue_dma source(%dma_start3A_508 : memref<8x1024xi32, #tpu.memory_space<hbm>>) target(%dma_start3A_507 : memref<8x1024xi32, #tpu.memory_space<vmem>>) target_semaphore(%dma_start3A_505 : memref<!tpu.dma_semaphore, #tpu.memory_space<semaphore_mem>>)
      } else {
      }
    }
    %while3A_187 = arith.constant 1 : i32
    scf.for %while3A_358 = %while3A_185 to %while3A_181 step %while3A_187  : i32 {
      %mul3A_359 = arith.muli %while3A_358, %while3A : i32
      %add3A_360 = arith.addi %while3A_178, %mul3A_359 : i32
      %jit3A_361 = arith.constant 3 : i32
      %eq3A_362 = arith.constant 0 : i32
      %eq3A_363 = arith.cmpi eq, %jit3A_361, %eq3A_362 : i32
      %jit3A_364 = arith.constant 1 : i32
      %select_n3A_365 = arith.select %eq3A_363, %jit3A_364, %jit3A_361 : i32
      %rem3A_366 = arith.remsi %add3A_360, %select_n3A_365 : i32
      %ne3A_367 = arith.constant 0 : i32
      %ne3A_368 = arith.cmpi ne, %rem3A_366, %ne3A_367 : i32
      %lt3A_369 = arith.constant 0 : i32
      %lt3A_370 = arith.cmpi slt, %rem3A_366, %lt3A_369 : i32
      %lt3A_371 = arith.constant 0 : i32
      %lt3A_372 = arith.cmpi slt, %select_n3A_365, %lt3A_371 : i32
      %ne3A_373 = arith.xori %lt3A_370, %lt3A_372 : i1
      %and3A_374 = arith.andi %ne3A_373, %ne3A_368 : i1
      %add3A_375 = arith.addi %rem3A_366, %select_n3A_365 : i32
      %select_n3A_376 = arith.select %and3A_374, %add3A_375, %rem3A_366 : i32
      %mul3A_377 = arith.constant 8 : i32
      %mul3A_378 = arith.muli %select_n3A_376, %mul3A_377 : i32
      %mul3A_379 = arith.constant 32 : i32
      %mul3A_380 = arith.muli %add3A_360, %mul3A_379 : i32
      %add3A_381 = arith.addi %add3A, %mul3A_380 : i32
      %jit3A_382 = arith.constant 16 : i32
      %div3A_383 = arith.divsi %add3A_381, %jit3A_382 : i32
      %sign3A_384 = arith.constant 0 : i32
      %sign3A_385 = arith.cmpi sgt, %add3A_381, %sign3A_384 : i32
      %sign3A_386 = arith.extui %sign3A_385 : i1 to i32
      %sign3A_387 = arith.constant 0 : i32
      %sign3A_388 = arith.cmpi slt, %add3A_381, %sign3A_387 : i32
      %sign3A_389 = arith.extui %sign3A_388 : i1 to i32
      %sign3A_390 = arith.subi %sign3A_386, %sign3A_389 : i32
      %sign3A_391 = arith.constant 0 : i32
      %sign3A_392 = arith.cmpi sgt, %jit3A_382, %sign3A_391 : i32
      %sign3A_393 = arith.extui %sign3A_392 : i1 to i32
      %sign3A_394 = arith.constant 0 : i32
      %sign3A_395 = arith.cmpi slt, %jit3A_382, %sign3A_394 : i32
      %sign3A_396 = arith.extui %sign3A_395 : i1 to i32
      %sign3A_397 = arith.subi %sign3A_393, %sign3A_396 : i32
      %ne3A_398 = arith.cmpi ne, %sign3A_390, %sign3A_397 : i32
      %rem3A_399 = arith.remsi %add3A_381, %jit3A_382 : i32
      %ne3A_400 = arith.constant 0 : i32
      %ne3A_401 = arith.cmpi ne, %rem3A_399, %ne3A_400 : i32
      %and3A_402 = arith.andi %ne3A_398, %ne3A_401 : i1
      %sub3A_403 = arith.constant 1 : i32
      %sub3A_404 = arith.subi %div3A_383, %sub3A_403 : i32
      %select_n3A_405 = arith.select %and3A_402, %sub3A_404, %div3A_383 : i32
      %mul3A_406 = arith.constant 8 : i32
      %mul3A_407 = arith.muli %select_n3A_405, %mul3A_406 : i32
      %jit3A_408 = arith.constant 16 : i32
      %eq3A_409 = arith.constant 0 : i32
      %eq3A_410 = arith.cmpi eq, %jit3A_408, %eq3A_409 : i32
      %jit3A_411 = arith.constant 1 : i32
      %select_n3A_412 = arith.select %eq3A_410, %jit3A_411, %jit3A_408 : i32
      %rem3A_413 = arith.remsi %add3A_381, %select_n3A_412 : i32
      %ne3A_414 = arith.constant 0 : i32
      %ne3A_415 = arith.cmpi ne, %rem3A_413, %ne3A_414 : i32
      %lt3A_416 = arith.constant 0 : i32
      %lt3A_417 = arith.cmpi slt, %rem3A_413, %lt3A_416 : i32
      %lt3A_418 = arith.constant 0 : i32
      %lt3A_419 = arith.cmpi slt, %select_n3A_412, %lt3A_418 : i32
      %ne3A_420 = arith.xori %lt3A_417, %lt3A_419 : i1
      %and3A_421 = arith.andi %ne3A_420, %ne3A_415 : i1
      %add3A_422 = arith.addi %rem3A_413, %select_n3A_412 : i32
      %select_n3A_423 = arith.select %and3A_421, %add3A_422, %rem3A_413 : i32
      %mul3A_424 = arith.constant 1024 : i32
      %mul3A_425 = arith.muli %select_n3A_423, %mul3A_424 : i32
      %dma_wait3A_426 = arith.constant 0 : i32
      %dma_wait3A_427 = tpu.memref_slice %arg6[%mul3A_378, %dma_wait3A_426] : memref<24x1024xi32, #tpu.memory_space<vmem>> -> memref<8x1024xi32, #tpu.memory_space<vmem>>
      %dma_wait3A_428 = tpu.memref_slice %arg2[%mul3A_407, %mul3A_425] : memref<200x16384xi32, #tpu.memory_space<hbm>> -> memref<8x1024xi32, #tpu.memory_space<hbm>>
      %dma_wait3A_429 = tpu.memref_slice %arg8[%select_n3A_376] : memref<3x!tpu.dma_semaphore, #tpu.memory_space<semaphore_mem>> -> memref<1x!tpu.dma_semaphore, #tpu.memory_space<semaphore_mem>>
      %dma_wait3A_430 = tpu.memref_squeeze %dma_wait3A_429 : memref<1x!tpu.dma_semaphore, #tpu.memory_space<semaphore_mem>> -> memref<!tpu.dma_semaphore, #tpu.memory_space<semaphore_mem>>
      %dma_wait3A_431 = arith.constant 0 : i32
      %dma_wait3A_432 = tpu.memref_slice %arg6[%mul3A_378, %dma_wait3A_431] : memref<24x1024xi32, #tpu.memory_space<vmem>> -> memref<8x1024xi32, #tpu.memory_space<vmem>>
      %dma_wait3A_433 = tpu.memref_slice %arg2[%mul3A_407, %mul3A_425] : memref<200x16384xi32, #tpu.memory_space<hbm>> -> memref<8x1024xi32, #tpu.memory_space<hbm>>
      tpu.wait_dma2 semaphore(%dma_wait3A_430 : memref<!tpu.dma_semaphore, #tpu.memory_space<semaphore_mem>>) src(%dma_wait3A_433 : memref<8x1024xi32, #tpu.memory_space<hbm>>) dst(%dma_wait3A_432 : memref<8x1024xi32, #tpu.memory_space<vmem>>)
      %ge3A = arith.constant 3 : i32
      %ge3A_434 = arith.cmpi sge, %add3A_360, %ge3A : i32
      %convert_element_type3A = arith.extui %ge3A_434 : i1 to i32
      %cond3A = arith.constant 0 : i32
      %cond3A_435 = arith.cmpi ne, %convert_element_type3A, %cond3A : i32
      scf.if %cond3A_435 {
        %sub3A_452 = arith.constant 3 : i32
        %sub3A_453 = arith.subi %add3A_360, %sub3A_452 : i32
        %mul3A_454 = arith.constant 32 : i32
        %mul3A_455 = arith.muli %sub3A_453, %mul3A_454 : i32
        %add3A_456 = arith.addi %add3A, %mul3A_455 : i32
        %jit3A_457 = arith.constant 16 : i32
        %div3A_458 = arith.divsi %add3A_456, %jit3A_457 : i32
        %sign3A_459 = arith.constant 0 : i32
        %sign3A_460 = arith.cmpi sgt, %add3A_456, %sign3A_459 : i32
        %sign3A_461 = arith.extui %sign3A_460 : i1 to i32
        %sign3A_462 = arith.constant 0 : i32
        %sign3A_463 = arith.cmpi slt, %add3A_456, %sign3A_462 : i32
        %sign3A_464 = arith.extui %sign3A_463 : i1 to i32
        %sign3A_465 = arith.subi %sign3A_461, %sign3A_464 : i32
        %sign3A_466 = arith.constant 0 : i32
        %sign3A_467 = arith.cmpi sgt, %jit3A_457, %sign3A_466 : i32
        %sign3A_468 = arith.extui %sign3A_467 : i1 to i32
        %sign3A_469 = arith.constant 0 : i32
        %sign3A_470 = arith.cmpi slt, %jit3A_457, %sign3A_469 : i32
        %sign3A_471 = arith.extui %sign3A_470 : i1 to i32
        %sign3A_472 = arith.subi %sign3A_468, %sign3A_471 : i32
        %ne3A_473 = arith.cmpi ne, %sign3A_465, %sign3A_472 : i32
        %rem3A_474 = arith.remsi %add3A_456, %jit3A_457 : i32
        %ne3A_475 = arith.constant 0 : i32
        %ne3A_476 = arith.cmpi ne, %rem3A_474, %ne3A_475 : i32
        %and3A_477 = arith.andi %ne3A_473, %ne3A_476 : i1
        %sub3A_478 = arith.constant 1 : i32
        %sub3A_479 = arith.subi %div3A_458, %sub3A_478 : i32
        %select_n3A_480 = arith.select %and3A_477, %sub3A_479, %div3A_458 : i32
        %mul3A_481 = arith.constant 8 : i32
        %mul3A_482 = arith.muli %select_n3A_480, %mul3A_481 : i32
        %jit3A_483 = arith.constant 16 : i32
        %eq3A_484 = arith.constant 0 : i32
        %eq3A_485 = arith.cmpi eq, %jit3A_483, %eq3A_484 : i32
        %jit3A_486 = arith.constant 1 : i32
        %select_n3A_487 = arith.select %eq3A_485, %jit3A_486, %jit3A_483 : i32
        %rem3A_488 = arith.remsi %add3A_456, %select_n3A_487 : i32
        %ne3A_489 = arith.constant 0 : i32
        %ne3A_490 = arith.cmpi ne, %rem3A_488, %ne3A_489 : i32
        %lt3A_491 = arith.constant 0 : i32
        %lt3A_492 = arith.cmpi slt, %rem3A_488, %lt3A_491 : i32
        %lt3A_493 = arith.constant 0 : i32
        %lt3A_494 = arith.cmpi slt, %select_n3A_487, %lt3A_493 : i32
        %ne3A_495 = arith.xori %lt3A_492, %lt3A_494 : i1
        %and3A_496 = arith.andi %ne3A_495, %ne3A_490 : i1
        %add3A_497 = arith.addi %rem3A_488, %select_n3A_487 : i32
        %select_n3A_498 = arith.select %and3A_496, %add3A_497, %rem3A_488 : i32
        %mul3A_499 = arith.constant 1024 : i32
        %mul3A_500 = arith.muli %select_n3A_498, %mul3A_499 : i32
        %dma_wait3A_501 = arith.constant 0 : i32
        %dma_wait3A_502 = tpu.memref_slice %arg7[%mul3A_378, %dma_wait3A_501] : memref<24x1024xf32, #tpu.memory_space<vmem>> -> memref<8x1024xf32, #tpu.memory_space<vmem>>
        %dma_wait3A_503 = tpu.memref_slice %arg4[%mul3A_482, %mul3A_500] : memref<200x16384xf32, #tpu.memory_space<hbm>> -> memref<8x1024xf32, #tpu.memory_space<hbm>>
        %dma_wait3A_504 = tpu.memref_slice %arg9[%select_n3A_376] : memref<3x!tpu.dma_semaphore, #tpu.memory_space<semaphore_mem>> -> memref<1x!tpu.dma_semaphore, #tpu.memory_space<semaphore_mem>>
        %dma_wait3A_505 = tpu.memref_squeeze %dma_wait3A_504 : memref<1x!tpu.dma_semaphore, #tpu.memory_space<semaphore_mem>> -> memref<!tpu.dma_semaphore, #tpu.memory_space<semaphore_mem>>
        %dma_wait3A_506 = tpu.memref_slice %arg4[%mul3A_482, %mul3A_500] : memref<200x16384xf32, #tpu.memory_space<hbm>> -> memref<8x1024xf32, #tpu.memory_space<hbm>>
        %dma_wait3A_507 = arith.constant 0 : i32
        %dma_wait3A_508 = tpu.memref_slice %arg7[%mul3A_378, %dma_wait3A_507] : memref<24x1024xf32, #tpu.memory_space<vmem>> -> memref<8x1024xf32, #tpu.memory_space<vmem>>
        tpu.wait_dma2 semaphore(%dma_wait3A_505 : memref<!tpu.dma_semaphore, #tpu.memory_space<semaphore_mem>>) src(%dma_wait3A_508 : memref<8x1024xf32, #tpu.memory_space<vmem>>) dst(%dma_wait3A_506 : memref<8x1024xf32, #tpu.memory_space<hbm>>)
      } else {
      }
      %parallel_loop3A = arith.constant 0 : i32
      %parallel_loop3A_436 = arith.constant 512 : i32
      %parallel_loop3A_437 = arith.constant 1 : i32
      scf.for %parallel_loop3A_452 = %parallel_loop3A to %parallel_loop3A_436 step %parallel_loop3A_437  : i32 {
        %parallel_loop3A_453 = arith.constant 64 : i32
        %parallel_loop3A_454 = arith.divsi %parallel_loop3A_452, %parallel_loop3A_453 : i32
        %parallel_loop3A_455 = arith.constant 0 : i32
        %parallel_loop3A_456 = arith.cmpi sgt, %parallel_loop3A_452, %parallel_loop3A_455 : i32
        %parallel_loop3A_457 = arith.extui %parallel_loop3A_456 : i1 to i32
        %parallel_loop3A_458 = arith.constant 0 : i32
        %parallel_loop3A_459 = arith.cmpi slt, %parallel_loop3A_452, %parallel_loop3A_458 : i32
        %parallel_loop3A_460 = arith.extui %parallel_loop3A_459 : i1 to i32
        %parallel_loop3A_461 = arith.subi %parallel_loop3A_457, %parallel_loop3A_460 : i32
        %parallel_loop3A_462 = arith.constant 0 : i32
        %parallel_loop3A_463 = arith.cmpi sgt, %parallel_loop3A_453, %parallel_loop3A_462 : i32
        %parallel_loop3A_464 = arith.extui %parallel_loop3A_463 : i1 to i32
        %parallel_loop3A_465 = arith.constant 0 : i32
        %parallel_loop3A_466 = arith.cmpi slt, %parallel_loop3A_453, %parallel_loop3A_465 : i32
        %parallel_loop3A_467 = arith.extui %parallel_loop3A_466 : i1 to i32
        %parallel_loop3A_468 = arith.subi %parallel_loop3A_464, %parallel_loop3A_467 : i32
        %parallel_loop3A_469 = arith.cmpi ne, %parallel_loop3A_461, %parallel_loop3A_468 : i32
        %parallel_loop3A_470 = arith.remsi %parallel_loop3A_452, %parallel_loop3A_453 : i32
        %parallel_loop3A_471 = arith.constant 0 : i32
        %parallel_loop3A_472 = arith.cmpi ne, %parallel_loop3A_470, %parallel_loop3A_471 : i32
        %parallel_loop3A_473 = arith.andi %parallel_loop3A_469, %parallel_loop3A_472 : i1
        %parallel_loop3A_474 = arith.constant 1 : i32
        %parallel_loop3A_475 = arith.subi %parallel_loop3A_454, %parallel_loop3A_474 : i32
        %parallel_loop3A_476 = arith.select %parallel_loop3A_473, %parallel_loop3A_475, %parallel_loop3A_454 : i32
        %parallel_loop3A_477 = arith.addi %mul3A_378, %parallel_loop3A_476 : i32
        %parallel_loop3A_478 = arith.constant 64 : i32
        %parallel_loop3A_479 = arith.constant 0 : i32
        %parallel_loop3A_480 = arith.cmpi eq, %parallel_loop3A_478, %parallel_loop3A_479 : i32
        %parallel_loop3A_481 = arith.constant 1 : i32
        %parallel_loop3A_482 = arith.select %parallel_loop3A_480, %parallel_loop3A_481, %parallel_loop3A_478 : i32
        %parallel_loop3A_483 = arith.remsi %parallel_loop3A_452, %parallel_loop3A_482 : i32
        %parallel_loop3A_484 = arith.constant 0 : i32
        %parallel_loop3A_485 = arith.cmpi ne, %parallel_loop3A_483, %parallel_loop3A_484 : i32
        %parallel_loop3A_486 = arith.constant 0 : i32
        %parallel_loop3A_487 = arith.cmpi slt, %parallel_loop3A_483, %parallel_loop3A_486 : i32
        %parallel_loop3A_488 = arith.constant 0 : i32
        %parallel_loop3A_489 = arith.cmpi slt, %parallel_loop3A_482, %parallel_loop3A_488 : i32
        %parallel_loop3A_490 = arith.xori %parallel_loop3A_487, %parallel_loop3A_489 : i1
        %parallel_loop3A_491 = arith.andi %parallel_loop3A_490, %parallel_loop3A_485 : i1
        %parallel_loop3A_492 = arith.addi %parallel_loop3A_483, %parallel_loop3A_482 : i32
        %parallel_loop3A_493 = arith.select %parallel_loop3A_491, %parallel_loop3A_492, %parallel_loop3A_483 : i32
        %parallel_loop3A_494 = arith.constant 16 : i32
        %parallel_loop3A_495 = arith.muli %parallel_loop3A_493, %parallel_loop3A_494 : i32
        %parallel_loop3A_496 = arith.index_cast %parallel_loop3A_477 : i32 to index
        %parallel_loop3A_497 = arith.index_cast %parallel_loop3A_495 : i32 to index
        %parallel_loop3A_498 = tpu.vector_load %arg6[%parallel_loop3A_496, %parallel_loop3A_497] {strides = array<i32>} : memref<24x1024xi32, #tpu.memory_space<vmem>>, vector<16xi32>,
        %parallel_loop3A_499 = tpu.vector_load_idx %arg5[%parallel_loop3A_498] : memref<1024xf32, #tpu.memory_space<vmem>>[vector<16xi32>], vector<16xf32>,
        %parallel_loop3A_500 = arith.index_cast %parallel_loop3A_477 : i32 to index
        %parallel_loop3A_501 = arith.index_cast %parallel_loop3A_495 : i32 to index
        %parallel_loop3A_502 = tpu.vector_load %arg7[%parallel_loop3A_500, %parallel_loop3A_501] {strides = array<i32>} : memref<24x1024xf32, #tpu.memory_space<vmem>>, vector<16xf32>,
        tpu.vector_store %arg7[%parallel_loop3A_500, %parallel_loop3A_501], %parallel_loop3A_499 {strides = array<i32>} : memref<24x1024xf32, #tpu.memory_space<vmem>>, vector<16xf32>,
      } {sc.loop_unroll_factor = 8 : i64, sc.parallel_access}
      %dma_start3A_438 = arith.constant 0 : i32
      %dma_start3A_439 = tpu.memref_slice %arg7[%mul3A_378, %dma_start3A_438] : memref<24x1024xf32, #tpu.memory_space<vmem>> -> memref<8x1024xf32, #tpu.memory_space<vmem>>
      %dma_start3A_440 = tpu.memref_slice %arg4[%mul3A_407, %mul3A_425] : memref<200x16384xf32, #tpu.memory_space<hbm>> -> memref<8x1024xf32, #tpu.memory_space<hbm>>
      %dma_start3A_441 = tpu.memref_slice %arg9[%select_n3A_376] : memref<3x!tpu.dma_semaphore, #tpu.memory_space<semaphore_mem>> -> memref<1x!tpu.dma_semaphore, #tpu.memory_space<semaphore_mem>>
      %dma_start3A_442 = tpu.memref_squeeze %dma_start3A_441 : memref<1x!tpu.dma_semaphore, #tpu.memory_space<semaphore_mem>> -> memref<!tpu.dma_semaphore, #tpu.memory_space<semaphore_mem>>
      %dma_start3A_443 = tpu.memref_slice %arg4[%mul3A_407, %mul3A_425] : memref<200x16384xf32, #tpu.memory_space<hbm>> -> memref<8x1024xf32, #tpu.memory_space<hbm>>
      %dma_start3A_444 = arith.constant 0 : i32
      %dma_start3A_445 = tpu.memref_slice %arg7[%mul3A_378, %dma_start3A_444] : memref<24x1024xf32, #tpu.memory_space<vmem>> -> memref<8x1024xf32, #tpu.memory_space<vmem>>
      tpu.enqueue_dma source(%dma_start3A_445 : memref<8x1024xf32, #tpu.memory_space<vmem>>) target(%dma_start3A_443 : memref<8x1024xf32, #tpu.memory_space<hbm>>) target_semaphore(%dma_start3A_442 : memref<!tpu.dma_semaphore, #tpu.memory_space<semaphore_mem>>)
      %add3A_446 = arith.constant 3 : i32
      %add3A_447 = arith.addi %add3A_360, %add3A_446 : i32
      %lt3A_448 = arith.cmpi slt, %add3A_447, %select_n3A : i32
      %convert_element_type3A_449 = arith.extui %lt3A_448 : i1 to i32
      %cond3A_450 = arith.constant 0 : i32
      %cond3A_451 = arith.cmpi ne, %convert_element_type3A_449, %cond3A_450 : i32
      scf.if %cond3A_451 {
        %add3A_452 = arith.constant 3 : i32
        %add3A_453 = arith.addi %add3A_360, %add3A_452 : i32
        %mul3A_454 = arith.constant 32 : i32
        %mul3A_455 = arith.muli %add3A_453, %mul3A_454 : i32
        %add3A_456 = arith.addi %add3A, %mul3A_455 : i32
        %jit3A_457 = arith.constant 16 : i32
        %div3A_458 = arith.divsi %add3A_456, %jit3A_457 : i32
        %sign3A_459 = arith.constant 0 : i32
        %sign3A_460 = arith.cmpi sgt, %add3A_456, %sign3A_459 : i32
        %sign3A_461 = arith.extui %sign3A_460 : i1 to i32
        %sign3A_462 = arith.constant 0 : i32
        %sign3A_463 = arith.cmpi slt, %add3A_456, %sign3A_462 : i32
        %sign3A_464 = arith.extui %sign3A_463 : i1 to i32
        %sign3A_465 = arith.subi %sign3A_461, %sign3A_464 : i32
        %sign3A_466 = arith.constant 0 : i32
        %sign3A_467 = arith.cmpi sgt, %jit3A_457, %sign3A_466 : i32
        %sign3A_468 = arith.extui %sign3A_467 : i1 to i32
        %sign3A_469 = arith.constant 0 : i32
        %sign3A_470 = arith.cmpi slt, %jit3A_457, %sign3A_469 : i32
        %sign3A_471 = arith.extui %sign3A_470 : i1 to i32
        %sign3A_472 = arith.subi %sign3A_468, %sign3A_471 : i32
        %ne3A_473 = arith.cmpi ne, %sign3A_465, %sign3A_472 : i32
        %rem3A_474 = arith.remsi %add3A_456, %jit3A_457 : i32
        %ne3A_475 = arith.constant 0 : i32
        %ne3A_476 = arith.cmpi ne, %rem3A_474, %ne3A_475 : i32
        %and3A_477 = arith.andi %ne3A_473, %ne3A_476 : i1
        %sub3A_478 = arith.constant 1 : i32
        %sub3A_479 = arith.subi %div3A_458, %sub3A_478 : i32
        %select_n3A_480 = arith.select %and3A_477, %sub3A_479, %div3A_458 : i32
        %mul3A_481 = arith.constant 8 : i32
        %mul3A_482 = arith.muli %select_n3A_480, %mul3A_481 : i32
        %jit3A_483 = arith.constant 16 : i32
        %eq3A_484 = arith.constant 0 : i32
        %eq3A_485 = arith.cmpi eq, %jit3A_483, %eq3A_484 : i32
        %jit3A_486 = arith.constant 1 : i32
        %select_n3A_487 = arith.select %eq3A_485, %jit3A_486, %jit3A_483 : i32
        %rem3A_488 = arith.remsi %add3A_456, %select_n3A_487 : i32
        %ne3A_489 = arith.constant 0 : i32
        %ne3A_490 = arith.cmpi ne, %rem3A_488, %ne3A_489 : i32
        %lt3A_491 = arith.constant 0 : i32
        %lt3A_492 = arith.cmpi slt, %rem3A_488, %lt3A_491 : i32
        %lt3A_493 = arith.constant 0 : i32
        %lt3A_494 = arith.cmpi slt, %select_n3A_487, %lt3A_493 : i32
        %ne3A_495 = arith.xori %lt3A_492, %lt3A_494 : i1
        %and3A_496 = arith.andi %ne3A_495, %ne3A_490 : i1
        %add3A_497 = arith.addi %rem3A_488, %select_n3A_487 : i32
        %select_n3A_498 = arith.select %and3A_496, %add3A_497, %rem3A_488 : i32
        %mul3A_499 = arith.constant 1024 : i32
        %mul3A_500 = arith.muli %select_n3A_498, %mul3A_499 : i32
        %dma_start3A_501 = arith.constant 0 : i32
        %dma_start3A_502 = tpu.memref_slice %arg6[%mul3A_378, %dma_start3A_501] : memref<24x1024xi32, #tpu.memory_space<vmem>> -> memref<8x1024xi32, #tpu.memory_space<vmem>>
        %dma_start3A_503 = tpu.memref_slice %arg2[%mul3A_482, %mul3A_500] : memref<200x16384xi32, #tpu.memory_space<hbm>> -> memref<8x1024xi32, #tpu.memory_space<hbm>>
        %dma_start3A_504 = tpu.memref_slice %arg8[%select_n3A_376] : memref<3x!tpu.dma_semaphore, #tpu.memory_space<semaphore_mem>> -> memref<1x!tpu.dma_semaphore, #tpu.memory_space<semaphore_mem>>
        %dma_start3A_505 = tpu.memref_squeeze %dma_start3A_504 : memref<1x!tpu.dma_semaphore, #tpu.memory_space<semaphore_mem>> -> memref<!tpu.dma_semaphore, #tpu.memory_space<semaphore_mem>>
        %dma_start3A_506 = arith.constant 0 : i32
        %dma_start3A_507 = tpu.memref_slice %arg6[%mul3A_378, %dma_start3A_506] : memref<24x1024xi32, #tpu.memory_space<vmem>> -> memref<8x1024xi32, #tpu.memory_space<vmem>>
        %dma_start3A_508 = tpu.memref_slice %arg2[%mul3A_482, %mul3A_500] : memref<200x16384xi32, #tpu.memory_space<hbm>> -> memref<8x1024xi32, #tpu.memory_space<hbm>>
        tpu.enqueue_dma source(%dma_start3A_508 : memref<8x1024xi32, #tpu.memory_space<hbm>>) target(%dma_start3A_507 : memref<8x1024xi32, #tpu.memory_space<vmem>>) target_semaphore(%dma_start3A_505 : memref<!tpu.dma_semaphore, #tpu.memory_space<semaphore_mem>>)
      } else {
      }
    }
    %add3A_188 = arith.constant 0 : i32
    %add3A_189 = arith.addi %add3A, %add3A_188 : i32
    %jit3A_190 = arith.constant 16 : i32
    %div3A_191 = arith.divsi %add3A_189, %jit3A_190 : i32
    %sign3A_192 = arith.constant 0 : i32
    %sign3A_193 = arith.cmpi sgt, %add3A_189, %sign3A_192 : i32
    %sign3A_194 = arith.extui %sign3A_193 : i1 to i32
    %sign3A_195 = arith.constant 0 : i32
    %sign3A_196 = arith.cmpi slt, %add3A_189, %sign3A_195 : i32
    %sign3A_197 = arith.extui %sign3A_196 : i1 to i32
    %sign3A_198 = arith.subi %sign3A_194, %sign3A_197 : i32
    %sign3A_199 = arith.constant 0 : i32
    %sign3A_200 = arith.cmpi sgt, %jit3A_190, %sign3A_199 : i32
    %sign3A_201 = arith.extui %sign3A_200 : i1 to i32
    %sign3A_202 = arith.constant 0 : i32
    %sign3A_203 = arith.cmpi slt, %jit3A_190, %sign3A_202 : i32
    %sign3A_204 = arith.extui %sign3A_203 : i1 to i32
    %sign3A_205 = arith.subi %sign3A_201, %sign3A_204 : i32
    %ne3A_206 = arith.cmpi ne, %sign3A_198, %sign3A_205 : i32
    %rem3A_207 = arith.remsi %add3A_189, %jit3A_190 : i32
    %ne3A_208 = arith.constant 0 : i32
    %ne3A_209 = arith.cmpi ne, %rem3A_207, %ne3A_208 : i32
    %and3A_210 = arith.andi %ne3A_206, %ne3A_209 : i1
    %sub3A_211 = arith.constant 1 : i32
    %sub3A_212 = arith.subi %div3A_191, %sub3A_211 : i32
    %select_n3A_213 = arith.select %and3A_210, %sub3A_212, %div3A_191 : i32
    %mul3A_214 = arith.constant 8 : i32
    %mul3A_215 = arith.muli %select_n3A_213, %mul3A_214 : i32
    %jit3A_216 = arith.constant 16 : i32
    %eq3A_217 = arith.constant 0 : i32
    %eq3A_218 = arith.cmpi eq, %jit3A_216, %eq3A_217 : i32
    %jit3A_219 = arith.constant 1 : i32
    %select_n3A_220 = arith.select %eq3A_218, %jit3A_219, %jit3A_216 : i32
    %rem3A_221 = arith.remsi %add3A_189, %select_n3A_220 : i32
    %ne3A_222 = arith.constant 0 : i32
    %ne3A_223 = arith.cmpi ne, %rem3A_221, %ne3A_222 : i32
    %lt3A_224 = arith.constant 0 : i32
    %lt3A_225 = arith.cmpi slt, %rem3A_221, %lt3A_224 : i32
    %lt3A_226 = arith.constant 0 : i32
    %lt3A_227 = arith.cmpi slt, %select_n3A_220, %lt3A_226 : i32
    %ne3A_228 = arith.xori %lt3A_225, %lt3A_227 : i1
    %and3A_229 = arith.andi %ne3A_228, %ne3A_223 : i1
    %add3A_230 = arith.addi %rem3A_221, %select_n3A_220 : i32
    %select_n3A_231 = arith.select %and3A_229, %add3A_230, %rem3A_221 : i32
    %mul3A_232 = arith.constant 1024 : i32
    %mul3A_233 = arith.muli %select_n3A_231, %mul3A_232 : i32
    %dma_wait3A = arith.constant 0 : i32
    %dma_wait3A_234 = arith.constant 0 : i32
    %dma_wait3A_235 = arith.constant 0 : i32
    %dma_wait3A_236 = tpu.memref_slice %arg7[%dma_wait3A_234, %dma_wait3A_235] : memref<24x1024xf32, #tpu.memory_space<vmem>> -> memref<8x1024xf32, #tpu.memory_space<vmem>>
    %dma_wait3A_237 = tpu.memref_slice %arg4[%mul3A_215, %mul3A_233] : memref<200x16384xf32, #tpu.memory_space<hbm>> -> memref<8x1024xf32, #tpu.memory_space<hbm>>
    %dma_wait3A_238 = tpu.memref_slice %arg9[%dma_wait3A] : memref<3x!tpu.dma_semaphore, #tpu.memory_space<semaphore_mem>> -> memref<1x!tpu.dma_semaphore, #tpu.memory_space<semaphore_mem>>
    %dma_wait3A_239 = tpu.memref_squeeze %dma_wait3A_238 : memref<1x!tpu.dma_semaphore, #tpu.memory_space<semaphore_mem>> -> memref<!tpu.dma_semaphore, #tpu.memory_space<semaphore_mem>>
    %dma_wait3A_240 = tpu.memref_slice %arg4[%mul3A_215, %mul3A_233] : memref<200x16384xf32, #tpu.memory_space<hbm>> -> memref<8x1024xf32, #tpu.memory_space<hbm>>
    %dma_wait3A_241 = arith.constant 0 : i32
    %dma_wait3A_242 = arith.constant 0 : i32
    %dma_wait3A_243 = tpu.memref_slice %arg7[%dma_wait3A_241, %dma_wait3A_242] : memref<24x1024xf32, #tpu.memory_space<vmem>> -> memref<8x1024xf32, #tpu.memory_space<vmem>>
    tpu.wait_dma2 semaphore(%dma_wait3A_239 : memref<!tpu.dma_semaphore, #tpu.memory_space<semaphore_mem>>) src(%dma_wait3A_243 : memref<8x1024xf32, #tpu.memory_space<vmem>>) dst(%dma_wait3A_240 : memref<8x1024xf32, #tpu.memory_space<hbm>>)
    %add3A_244 = arith.constant 32 : i32
    %add3A_245 = arith.addi %add3A, %add3A_244 : i32
    %jit3A_246 = arith.constant 16 : i32
    %div3A_247 = arith.divsi %add3A_245, %jit3A_246 : i32
    %sign3A_248 = arith.constant 0 : i32
    %sign3A_249 = arith.cmpi sgt, %add3A_245, %sign3A_248 : i32
    %sign3A_250 = arith.extui %sign3A_249 : i1 to i32
    %sign3A_251 = arith.constant 0 : i32
    %sign3A_252 = arith.cmpi slt, %add3A_245, %sign3A_251 : i32
    %sign3A_253 = arith.extui %sign3A_252 : i1 to i32
    %sign3A_254 = arith.subi %sign3A_250, %sign3A_253 : i32
    %sign3A_255 = arith.constant 0 : i32
    %sign3A_256 = arith.cmpi sgt, %jit3A_246, %sign3A_255 : i32
    %sign3A_257 = arith.extui %sign3A_256 : i1 to i32
    %sign3A_258 = arith.constant 0 : i32
    %sign3A_259 = arith.cmpi slt, %jit3A_246, %sign3A_258 : i32
    %sign3A_260 = arith.extui %sign3A_259 : i1 to i32
    %sign3A_261 = arith.subi %sign3A_257, %sign3A_260 : i32
    %ne3A_262 = arith.cmpi ne, %sign3A_254, %sign3A_261 : i32
    %rem3A_263 = arith.remsi %add3A_245, %jit3A_246 : i32
    %ne3A_264 = arith.constant 0 : i32
    %ne3A_265 = arith.cmpi ne, %rem3A_263, %ne3A_264 : i32
    %and3A_266 = arith.andi %ne3A_262, %ne3A_265 : i1
    %sub3A_267 = arith.constant 1 : i32
    %sub3A_268 = arith.subi %div3A_247, %sub3A_267 : i32
    %select_n3A_269 = arith.select %and3A_266, %sub3A_268, %div3A_247 : i32
    %mul3A_270 = arith.constant 8 : i32
    %mul3A_271 = arith.muli %select_n3A_269, %mul3A_270 : i32
    %jit3A_272 = arith.constant 16 : i32
    %eq3A_273 = arith.constant 0 : i32
    %eq3A_274 = arith.cmpi eq, %jit3A_272, %eq3A_273 : i32
    %jit3A_275 = arith.constant 1 : i32
    %select_n3A_276 = arith.select %eq3A_274, %jit3A_275, %jit3A_272 : i32
    %rem3A_277 = arith.remsi %add3A_245, %select_n3A_276 : i32
    %ne3A_278 = arith.constant 0 : i32
    %ne3A_279 = arith.cmpi ne, %rem3A_277, %ne3A_278 : i32
    %lt3A_280 = arith.constant 0 : i32
    %lt3A_281 = arith.cmpi slt, %rem3A_277, %lt3A_280 : i32
    %lt3A_282 = arith.constant 0 : i32
    %lt3A_283 = arith.cmpi slt, %select_n3A_276, %lt3A_282 : i32
    %ne3A_284 = arith.xori %lt3A_281, %lt3A_283 : i1
    %and3A_285 = arith.andi %ne3A_284, %ne3A_279 : i1
    %add3A_286 = arith.addi %rem3A_277, %select_n3A_276 : i32
    %select_n3A_287 = arith.select %and3A_285, %add3A_286, %rem3A_277 : i32
    %mul3A_288 = arith.constant 1024 : i32
    %mul3A_289 = arith.muli %select_n3A_287, %mul3A_288 : i32
    %dma_wait3A_290 = arith.constant 1 : i32
    %dma_wait3A_291 = arith.constant 8 : i32
    %dma_wait3A_292 = arith.constant 0 : i32
    %dma_wait3A_293 = tpu.memref_slice %arg7[%dma_wait3A_291, %dma_wait3A_292] : memref<24x1024xf32, #tpu.memory_space<vmem>> -> memref<8x1024xf32, #tpu.memory_space<vmem>>
    %dma_wait3A_294 = tpu.memref_slice %arg4[%mul3A_271, %mul3A_289] : memref<200x16384xf32, #tpu.memory_space<hbm>> -> memref<8x1024xf32, #tpu.memory_space<hbm>>
    %dma_wait3A_295 = tpu.memref_slice %arg9[%dma_wait3A_290] : memref<3x!tpu.dma_semaphore, #tpu.memory_space<semaphore_mem>> -> memref<1x!tpu.dma_semaphore, #tpu.memory_space<semaphore_mem>>
    %dma_wait3A_296 = tpu.memref_squeeze %dma_wait3A_295 : memref<1x!tpu.dma_semaphore, #tpu.memory_space<semaphore_mem>> -> memref<!tpu.dma_semaphore, #tpu.memory_space<semaphore_mem>>
    %dma_wait3A_297 = tpu.memref_slice %arg4[%mul3A_271, %mul3A_289] : memref<200x16384xf32, #tpu.memory_space<hbm>> -> memref<8x1024xf32, #tpu.memory_space<hbm>>
    %dma_wait3A_298 = arith.constant 8 : i32
    %dma_wait3A_299 = arith.constant 0 : i32
    %dma_wait3A_300 = tpu.memref_slice %arg7[%dma_wait3A_298, %dma_wait3A_299] : memref<24x1024xf32, #tpu.memory_space<vmem>> -> memref<8x1024xf32, #tpu.memory_space<vmem>>
    tpu.wait_dma2 semaphore(%dma_wait3A_296 : memref<!tpu.dma_semaphore, #tpu.memory_space<semaphore_mem>>) src(%dma_wait3A_300 : memref<8x1024xf32, #tpu.memory_space<vmem>>) dst(%dma_wait3A_297 : memref<8x1024xf32, #tpu.memory_space<hbm>>)
    %add3A_301 = arith.constant 64 : i32
    %add3A_302 = arith.addi %add3A, %add3A_301 : i32
    %jit3A_303 = arith.constant 16 : i32
    %div3A_304 = arith.divsi %add3A_302, %jit3A_303 : i32
    %sign3A_305 = arith.constant 0 : i32
    %sign3A_306 = arith.cmpi sgt, %add3A_302, %sign3A_305 : i32
    %sign3A_307 = arith.extui %sign3A_306 : i1 to i32
    %sign3A_308 = arith.constant 0 : i32
    %sign3A_309 = arith.cmpi slt, %add3A_302, %sign3A_308 : i32
    %sign3A_310 = arith.extui %sign3A_309 : i1 to i32
    %sign3A_311 = arith.subi %sign3A_307, %sign3A_310 : i32
    %sign3A_312 = arith.constant 0 : i32
    %sign3A_313 = arith.cmpi sgt, %jit3A_303, %sign3A_312 : i32
    %sign3A_314 = arith.extui %sign3A_313 : i1 to i32
    %sign3A_315 = arith.constant 0 : i32
    %sign3A_316 = arith.cmpi slt, %jit3A_303, %sign3A_315 : i32
    %sign3A_317 = arith.extui %sign3A_316 : i1 to i32
    %sign3A_318 = arith.subi %sign3A_314, %sign3A_317 : i32
    %ne3A_319 = arith.cmpi ne, %sign3A_311, %sign3A_318 : i32
    %rem3A_320 = arith.remsi %add3A_302, %jit3A_303 : i32
    %ne3A_321 = arith.constant 0 : i32
    %ne3A_322 = arith.cmpi ne, %rem3A_320, %ne3A_321 : i32
    %and3A_323 = arith.andi %ne3A_319, %ne3A_322 : i1
    %sub3A_324 = arith.constant 1 : i32
    %sub3A_325 = arith.subi %div3A_304, %sub3A_324 : i32
    %select_n3A_326 = arith.select %and3A_323, %sub3A_325, %div3A_304 : i32
    %mul3A_327 = arith.constant 8 : i32
    %mul3A_328 = arith.muli %select_n3A_326, %mul3A_327 : i32
    %jit3A_329 = arith.constant 16 : i32
    %eq3A_330 = arith.constant 0 : i32
    %eq3A_331 = arith.cmpi eq, %jit3A_329, %eq3A_330 : i32
    %jit3A_332 = arith.constant 1 : i32
    %select_n3A_333 = arith.select %eq3A_331, %jit3A_332, %jit3A_329 : i32
    %rem3A_334 = arith.remsi %add3A_302, %select_n3A_333 : i32
    %ne3A_335 = arith.constant 0 : i32
    %ne3A_336 = arith.cmpi ne, %rem3A_334, %ne3A_335 : i32
    %lt3A_337 = arith.constant 0 : i32
    %lt3A_338 = arith.cmpi slt, %rem3A_334, %lt3A_337 : i32
    %lt3A_339 = arith.constant 0 : i32
    %lt3A_340 = arith.cmpi slt, %select_n3A_333, %lt3A_339 : i32
    %ne3A_341 = arith.xori %lt3A_338, %lt3A_340 : i1
    %and3A_342 = arith.andi %ne3A_341, %ne3A_336 : i1
    %add3A_343 = arith.addi %rem3A_334, %select_n3A_333 : i32
    %select_n3A_344 = arith.select %and3A_342, %add3A_343, %rem3A_334 : i32
    %mul3A_345 = arith.constant 1024 : i32
    %mul3A_346 = arith.muli %select_n3A_344, %mul3A_345 : i32
    %dma_wait3A_347 = arith.constant 2 : i32
    %dma_wait3A_348 = arith.constant 16 : i32
    %dma_wait3A_349 = arith.constant 0 : i32
    %dma_wait3A_350 = tpu.memref_slice %arg7[%dma_wait3A_348, %dma_wait3A_349] : memref<24x1024xf32, #tpu.memory_space<vmem>> -> memref<8x1024xf32, #tpu.memory_space<vmem>>
    %dma_wait3A_351 = tpu.memref_slice %arg4[%mul3A_328, %mul3A_346] : memref<200x16384xf32, #tpu.memory_space<hbm>> -> memref<8x1024xf32, #tpu.memory_space<hbm>>
    %dma_wait3A_352 = tpu.memref_slice %arg9[%dma_wait3A_347] : memref<3x!tpu.dma_semaphore, #tpu.memory_space<semaphore_mem>> -> memref<1x!tpu.dma_semaphore, #tpu.memory_space<semaphore_mem>>
    %dma_wait3A_353 = tpu.memref_squeeze %dma_wait3A_352 : memref<1x!tpu.dma_semaphore, #tpu.memory_space<semaphore_mem>> -> memref<!tpu.dma_semaphore, #tpu.memory_space<semaphore_mem>>
    %dma_wait3A_354 = tpu.memref_slice %arg4[%mul3A_328, %mul3A_346] : memref<200x16384xf32, #tpu.memory_space<hbm>> -> memref<8x1024xf32, #tpu.memory_space<hbm>>
    %dma_wait3A_355 = arith.constant 16 : i32
    %dma_wait3A_356 = arith.constant 0 : i32
    %dma_wait3A_357 = tpu.memref_slice %arg7[%dma_wait3A_355, %dma_wait3A_356] : memref<24x1024xf32, #tpu.memory_space<vmem>> -> memref<8x1024xf32, #tpu.memory_space<vmem>>
    tpu.wait_dma2 semaphore(%dma_wait3A_353 : memref<!tpu.dma_semaphore, #tpu.memory_space<semaphore_mem>>) src(%dma_wait3A_357 : memref<8x1024xf32, #tpu.memory_space<vmem>>) dst(%dma_wait3A_354 : memref<8x1024xf32, #tpu.memory_space<hbm>>)
    return
  }
}

</mosaic_0001>

<sc_bundles>
// kernel: kernel.3.cloned.1.call-start
scs
__scs_entry_jumppad:
0x0: {  	(pc) =	sbr.rel $0x88, $3  }
0x1: {  	(tag) =	ssettag $0x0;
	lr =	simm.s32 $0x1  }
0x2: {  	[smem:$0x3F9F] =	sst lr;
	_ =	strace $0xD0000000  }
0x3: {  	_ = 	snop  }
0x4: {  	_ = 	snop  }
0x5: {  	_ = 	snop  }
0x6: {  	_ = 	snop  }
0x7: {  	_ = 	snop  }
__scs_overlays_trampoline_lowered:
0x8: {  	[smem:$0x3FAE] =	sst s0  }
0x9: {  	[smem:$0x3FAF] =	sst s1  }
0xa: {  	[smem:$0x3FB0] =	sst s2  }
0xb: {  	[smem:$0x3FB1] =	sst s3  }
0xc: {  	[smem:$0x3FB2] =	sst s4  }
0xd: {  	[smem:$0x3FB3] =	sst s5  }
0xe: {  	[smem:$0x3FB4] =	sst s6  }
0xf: {  	[smem:$0x3FB5] =	sst s7  }
0x10: {  	[smem:$0x3FB6] =	sst s8  }
0x11: {  	[smem:$0x3FB7] =	sst s9;
	s0 =	simm.s32 @!p0 $0x0  }
0x12: {  	s1 =	sld [smem:$0x3F9D];
	s0 =	simm.s32 @p0 $0x1  }
0x13: {  	[smem:$0x3FB8] =	sst s0;
	s0 =	simm.s32 @!p1 $0x0  }
0x14: {  	s2 =	sld [smem:$0x3F9C];
	s0 =	simm.s32 @p1 $0x1  }
0x15: {  	[smem:$0x3FB9] =	sst s0;
	s0 =	simm.s32 @!p2 $0x0  }
0x16: {  	s3 =	sld [smem:$0x3FDB];
	s0 =	simm.s32 @p2 $0x1  }
0x17: {  	s4 =	simm.s32 $0x1BF5;
	[smem:$0x3FBB] =	sst s0  }
0x18: {  	s0 =	sld [smem:$0x3F9E];
	_ =	swait.ge [sflag:s4], $0x0  }
0x19: {  	s7 =	sld [smem:$0x3F9F]  }
0x1a: {  	s8 =	sadd.s32 $0xFFFFE003, lr  }
0x1b: {  	s9 =	sadd.s32 $0xFFFFFEF7, lr;
	s5 =	simm.s32 $0xFFFFFFFF;
	p2 =	slt.u32 s8, $0xFFFFF086  }
0x1c: {  	p1 =	slt.u32 s9, $0xF7A;
	s5 =	simm.s32 @!p2 $0x0  }
0x1d: {  	s5 =	simm.s32 @p1 $0x1;
	p0 =	seq.s32 s7, s2  }
0x1e: {  	s7 =	smul.u32 @!p0 $0xF7A, s2;
	p2 =	seq.s32 @!p0 s5, $0x0  }
0x1f: {  	s9 =	smul.u32 $0xF7A, s1;
	s8 =	simm.s32 @!p0 $0x1BF5;
	p2 =	por !p2, p0  }
0x20: {  	[sflag:s8] =	ssyncset.s32 @!p0 $0xFFFFF086;
	s6 =	sadd.s32 @!p0 s3, s7;
	s7 =	simm.s32 @!p0 $0x108  }
0x21: {  	s3 =	sadd.s32 s3, s9;
	s6 =	sadd.s32 @!p0 $0x88, s6;
	s7 =	simm.s32 @p2 $0x1082  }
0x22: {  	[simem:s7], [sflag:s8] =	dma.local @!p0 [hbm:s6], $0xF7A  }
0x23: {  	s9 =	sor.u32 $0xD0000000, s2;
	s6 =	simm.s32 $0x108;
	_ =	swait.ge @!p0 [sflag:s8], $0x0  }
0x24: {  	s3 =	sadd.s32 $0x88, s3;
	s6 =	simm.s32 @!p1 $0x1082;
	[sflag:s4] =	ssyncset.s32 $0xFFFFF086  }
0x25: {  	[simem:s6], [sflag:s4] =	dma.local [hbm:s3], $0xF7A  }
0x26: {  	[smem:$0x3F9F] =	sst s1;
	(tag) =	ssettag s2;
	_ =	strace s9  }
0x27: {  	s1 =	sld [smem:$0x3FAF]  }
0x28: {  	s2 =	sld [smem:$0x3FB0]  }
0x29: {  	s4 =	sld [smem:$0x3FB2]  }
0x2a: {  	p0 =	seq.s32 s5, $0x0;
	s5 =	sld [smem:$0x3FB3]  }
0x2b: {  	s6 =	sld [smem:$0x3FB4]  }
0x2c: {  	s7 =	sld [smem:$0x3FB5]  }
0x2d: {  	s3 =	simm.s32 $0x108;
	s8 =	sld [smem:$0x3FB6]  }
0x2e: {  	s3 =	simm.s32 @!p0 $0x1082;
	s9 =	sld [smem:$0x3FB7]  }
0x2f: {  	lr =	sadd.s32 s0, s3;
	s0 =	sld [smem:$0x3FAE]  }
0x30: {  	s3 =	sld [smem:$0x3FB1]  }
0x31: {  	[smem:$0x3FBA] =	sst s10  }
0x32: {  	s10 =	sld [smem:$0x3FB8];
	_ =	sdelay $0x3  }
0x33: {  	p0 =	seq.s32 s10, $0x1;
	s10 =	sld [smem:$0x3FBA];
	_ =	sdelay $0x3  }
0x34: {  	[smem:$0x3FBA] =	sst s10  }
0x35: {  	s10 =	sld [smem:$0x3FB9];
	_ =	sdelay $0x3  }
0x36: {  	p1 =	seq.s32 s10, $0x1;
	s10 =	sld [smem:$0x3FBA];
	_ =	sdelay $0x3  }
0x37: {  	[smem:$0x3FBA] =	sst s10  }
0x38: {  	s10 =	sld [smem:$0x3FBB]  }
0x39: {  	_ = 	snop;
	(pc) =	sbr.ind lr, $3  }
0x3a: {  	_ = 	snop  }
0x3b: {  	_ = 	snop  }
0x3c: {  	p2 =	seq.s32 s10, $0x1;
	s10 =	sld [smem:$0x3FBA]  }
0x3d: {  	_ =	shalt  }
0x3e: {  	_ =	shalt  }
0x3f: {  	_ =	shalt  }
0x40: {  	_ =	shalt  }
0x41: {  	_ =	shalt  }
0x42: {  	_ =	shalt  }
0x43: {  	_ =	shalt  }
0x44: {  	_ =	shalt  }
0x45: {  	_ =	shalt  }
0x46: {  	_ =	shalt  }
0x47: {  	_ =	shalt  }
0x48: {  	_ =	shalt  }
0x49: {  	_ =	shalt  }
0x4a: {  	_ =	shalt  }
0x4b: {  	_ =	shalt  }
0x4c: {  	_ =	shalt  }
0x4d: {  	_ =	shalt  }
0x4e: {  	_ =	shalt  }
0x4f: {  	_ =	shalt  }
0x50: {  	_ =	shalt  }
0x51: {  	_ =	shalt  }
0x52: {  	_ =	shalt  }
0x53: {  	_ =	shalt  }
0x54: {  	_ =	shalt  }
0x55: {  	_ =	shalt  }
0x56: {  	_ =	shalt  }
0x57: {  	_ =	shalt  }
0x58: {  	_ =	shalt  }
0x59: {  	_ =	shalt  }
0x5a: {  	_ =	shalt  }
0x5b: {  	_ =	shalt  }
0x5c: {  	_ =	shalt  }
0x5d: {  	_ =	shalt  }
0x5e: {  	_ =	shalt  }
0x5f: {  	_ =	shalt  }
0x60: {  	_ =	shalt  }
0x61: {  	_ =	shalt  }
0x62: {  	_ =	shalt  }
0x63: {  	_ =	shalt  }
0x64: {  	_ =	shalt  }
0x65: {  	_ =	shalt  }
0x66: {  	_ =	shalt  }
0x67: {  	_ =	shalt  }
0x68: {  	_ =	shalt  }
0x69: {  	_ =	shalt  }
0x6a: {  	_ =	shalt  }
0x6b: {  	_ =	shalt  }
0x6c: {  	_ =	shalt  }
0x6d: {  	_ =	shalt  }
0x6e: {  	_ =	shalt  }
0x6f: {  	_ =	shalt  }
0x70: {  	_ =	shalt  }
0x71: {  	_ =	shalt  }
0x72: {  	_ =	shalt  }
0x73: {  	_ =	shalt  }
0x74: {  	_ =	shalt  }
0x75: {  	_ =	shalt  }
0x76: {  	_ =	shalt  }
0x77: {  	_ =	shalt  }
0x78: {  	_ =	shalt  }
0x79: {  	_ =	shalt  }
0x7a: {  	_ =	shalt  }
0x7b: {  	_ =	shalt  }
0x7c: {  	_ =	shalt  }
0x7d: {  	_ =	shalt  }
0x7e: {  	_ =	shalt  }
0x7f: {  	_ =	shalt  }
0x80: {  	_ =	shalt  }
0x81: {  	_ =	shalt  }
0x82: {  	_ =	shalt  }
0x83: {  	_ =	shalt  }
0x84: {  	_ =	shalt  }
0x85: {  	_ =	shalt  }
0x86: {  	_ =	shalt  }
0x87: {  	_ =	shalt  }
.Lfunc_end0:
.L_simem_size_0:
called_computation_lowered:
.L_overlay_start_0:
0x88: {  	s2 =	sld [smem:$0x3FD9]  }
0x89: {  	s3 =	sld [smem:$0x3FFE];
	_ =	sdelay $0x1  }
0x8a: {  	s1 =	srdreg.scid  }
0x8b: {  	s0 =	sand.u32 $0x1, s1  }
0x8c: {  	s18 =	sshll.u32 s0, $0xA;
	s2 =	sadd.s32 s3, s2  }
0x8d: {  	s2 =	sadd.s32 s2, s18  }
0x8e: {  	[smem:$0x3FC6] =	sst s2  }
0x8f: {  	_ = 	snop  }
0x90: {  	s2 =	sld [smem:$0x3FC9]  }
0x91: {  	s19 =	sld [smem:$0x3FC8]  }
0x92: {  	s4 =	sld [smem:$0x3FD0];
	(tm) =	ssettm $0x1  }
0x93: {  	s5 =	sld [smem:$0x3FFB];
	_ =	sdelay $0x3  }
0x94: {  	_ =	strace s5  }
0x95: {  	s5 =	sld [smem:$0x3FFC];
	_ =	sdelay $0x3  }
0x96: {  	_ =	strace s5  }
0x97: {  	s5 =	sld [smem:$0x3FFD];
	_ =	sdelay $0x3  }
0x98: {  	_ =	strace s5  }
0x99: {  	_ =	strace $0x8FFFFFFF  }
0x9a: {  	s20 =	sld [smem:$0x3FDB];
	_ =	sdelay $0x1  }
0x9b: {  	s6 =	simm.s32 $_scs_section_size  }
0x9c: {  	s7 =	simm.s32 $_size__tile_overlayer_lowered;
	s8 =	simm.s32 $_tile_overlayer_lowered  }
0x9d: {  	s23 =	simm.s32 $0x1BFF;
	s22 =	sshll.u32 s8, $0x1;
	s5 =	sadd.s32 s6, s20  }
0x9e: {  	s9 =	simm.s32 $0x0;
	s21 =	sshll.u32 s7, $0x1;
	s7 =	sadd.s32 s22, s5  }
0x9f: {  	[timem:s9], [sflag:s23] =	dma.local [hbm:s7], s21  }
0xa0: {  	_ =	swait.ge [sflag:s23], s21  }
0xa1: {  	s6 =	ssub.s32 $0x0, s21;
	[sflag:s23] =	ssyncset.done $0x0  }
0xa2: {  	[sflag:s23] =	ssyncadd.s32 s6;
	_ =	sdelay $0x1  }
0xa3: {  	s24 =	simm.s32 $0x1B8B  }
0xa4: {  	_ =	swait.ge [sflag:s24], $0x1  }
0xa5: {  	[sflag:s24] =	ssyncset.done $0x0  }
0xa6: {  	s25 =	simm.s32 $0x1B8E;
	[sflag:s24] =	ssyncadd.s32 $0xFFFFFFFF  }
0xa7: {  	s26 =	simm.s32 $execute0_lowered;
	[smem:$0x3FD2] =	sst s25  }
0xa8: {  	s6 =	sshll.u32 s26, $0x1;
	_ =	strace $0x80000046;
	[dreg:$0x1] =	wrdreg $0xFFFFFFFF  }
0xa9: {  	s28 =	simm.s32 $_size_execute0_lowered;
	s5 =	sadd.s32 s5, s6;
	[dreg:$0x0] =	wrdreg $0x0  }
0xaa: {  	s6 =	sshll.u32 s28, $0x1;
	[dreg:$0x2] =	wrdreg s5  }
0xab: {  	[dreg:$0x3] =	wrdreg s6  }
0xac: {  	[dreg:$0x4] =	wrdreg $0xC0  }
0xad: {  	_ =	task [dreg:s9], $0x5FFFF  }
0xae: {  	[dreg:$0x1] =	wrdreg $0xFFFFFFFF  }
0xaf: {  	[dreg:$0x0] =	wrdreg $0x60  }
0xb0: {  	[dreg:$0x2] =	wrdreg s2  }
0xb1: {  	[dreg:$0x3] =	wrdreg s19  }
0xb2: {  	[dreg:$0x4] =	wrdreg s4  }
0xb3: {  	[dreg:$0x5] =	wrdreg $0x9  }
0xb4: {  	_ =	task.clear_ibuf [dreg:s9], $0x6FFFF;
	_ =	strace $0x90000046  }
0xb5: {  	s29 =	simm.s32 $0x9;
	_ =	strace $0x80000048  }
0xb6: {  	_ =	swait.ge [sflag:s29], $0x1  }
0xb7: {  	[sflag:s29] =	ssyncadd.s32 $0xFFFFFFFF  }
0xb8: {  	_ =	strace $0x90000048  }
0xb9: {  	_ =	sfence  }
0xba: {  	s30 =	sld [smem:$0x0];
	_ =	sdelay $0x2  }
0xbb: {  	s31 =	sshll.u32 s1, $0xD;
	s1 =	sshrl.u32 s1, $0x2  }
0xbc: {  	s3 =	sand.u32 $0x4000, s31;
	s1 =	sadd.s32 s1, s30  }
0xbd: {  	s0 =	sor.u32 s3, s0;
	s1 =	sshll.u32 s1, $0x11  }
0xbe: {  	s0 =	sor.u32 s1, s0  }
0xbf: {  	s0 =	sadd.s32 $0x8F2B, s0  }
0xc0: {  	[sflag:s0] =	ssyncadd.remote.s32 $0x1  }
0xc1: {  	_ =	sfence.sel $0xFFFF  }
0xc2: {  	[dreg:$0x0] =	wrdreg $0xFFFFFFFF;
	(pc) =	sbr.abs _section_cstart, $3  }
0xc3: {  	[dreg:$0x1] =	wrdreg $0xFFFFFFFF  }
0xc4: {  	_ =	task.clear_ibuf [dreg:s9], $0x2FFFF;
	_ =	strace $0x9FFFFFFF  }
0xc5: {  	(tm) =	ssettm $0x7FFFFFFF  }
tec
execute0_lowered:
.L_overlay_start_1:
0x0: {  	(tag) =	ssettag $0x1  }
0x1: {  	s1 =	rddreg [dreg:$0x0]  }
0x2: {  	s4 =	rddreg [dreg:$0x2]  }
0x3: {  	s0 =	srdreg.scid;
	s3 =	stileid.u32;
	s5 =	simm.s32 $0x0  }
0x4: {  	s16 =	simm.s32 $0x4400;
	s17 =	simm.s32 $0x7;
	s19 =	simm.s32 $0x5  }
0x5: {  	s20 =	simm.s32 $0x6;
	s21 =	simm.s32 $0x0;
	s22 =	simm.s32 $0x0  }
0x6: {  	s0 =	sand.u32 $0x1, s0;
	s2 =	sshll.u32 s3, $0x1;
	[smem:$0x7FF] =	sst s5  }
0x7: {  	s29 =	sshll.u32 s3, $0xB;
	p0 =	slt.u32 s3, $0x8;
	s31 =	sshll.u32 s3, $0xE  }
0x8: {  	s6 =	sor.u32 s0, s2;
	s0 =	ssub.s32 $0x2, s0;
	s2 =	sand.u32 $0x4000, s29  }
0x9: {  	_ =	strace $0x80000047;
	s13 =	sand.u32 $0x20000, s31;
	s7 =	sshll.u32 s6, $0xA  }
0xa: {  	s8 =	sshrl.u32 s0, $0x1;
	s30 =	sshll.u32 s6, $0xD;
	s18 =	sand.u32 $0xF, s6  }
0xb: {  	s7 =	sand.u32 $0x3C00, s7;
	s0 =	ssub.s32 s0, s8;
	s12 =	sand.u32 $0x1E000, s30  }
0xc: {  	s2 =	sor.u32 s2, s7;
	s7 =	simm.s32 $0xD;
	s11 =	smax.u32 s0, $0x1  }
0xd: {  	s8 =	sadd.s32 s1, s2;
	s7 =	simm.s32 @!p0 $0xC;
	p0 =	sne.s32 s18, $0x0  }
0xe: {  	s18 =	simm.s32 $0x4;
	s9 =	sadd.s32 $0x8000, s8;
	s10 =	sadd.s32 $0x10000, s8  }
.LBB2_1:
0xf: {  	s0 =	simm.s32 $0x400  }
0x10: {  	[tilespmem:s0], [sflag:$0x1] =	stream.linear.gather [hbm4b:s8+s5], $0x2000, $0x38;
	[tilespmem:$0xC400] =	vst v63  }
0x11: {  	s30 =	simm.s32 $0x2400  }
0x12: {  	[tilespmem:s30], [sflag:$0x2] =	stream.linear.gather [hbm4b:s9+s5], $0x2000, $0x38;
	[tilespmem:$0xC400] =	vst v63  }
0x13: {  	_ = 	snop  }
0x14: {  	[tilespmem:s16], [sflag:$0x3] =	stream.linear.gather [hbm4b:s10+s5], $0x2000, $0x38;
	[tilespmem:$0xC400] =	vst v63  }
0x15: {  	s31 =	rddreg [dreg:$0x1]  }
0x16: {  	[tilespmem:s5], [sflag:$0x7] =	stream.linear.gather [hbm4b:s31+s5], $0x400, $0x38;
	[tilespmem:$0xC400] =	vst v63  }
0x17: {  	_ =	swait.ge [sflag:s17], $0x400  }
0x18: {  	[sflag:s17] =	ssyncset.done $0x0  }
0x19: {  	s2 =	simm.s32 $0x40;
	s0 =	simm.s32 $0x0;
	[sflag:s17] =	ssyncadd.s32 $0xFFFFFC00  }
.LBB2_2:
0x1a: {  	p1 =	sne.s32 s2, $0xFC0;
	v0 =	vld [tilespmem:s0+$0x0];
	_ =	sdelay $0x4  }
0x1b: {  	v0 =	vmul.f32 $1.442695020e+00, v0;
	_ =	sdelay $0x1  }
0x1c: {  	(erf) = vpow2.f32 v0;
	_ =	sdelay $0x5  }
.Ltmp0:
0x1d: {  	(pc) =	sbr.rel @p1 .LBB2_2-.Ltmp0, $3  }
0x1e: {  	_ =	sdelay $0x1  }
0x1f: {  	v0 =	vpop (erf)  }
0x20: {  	[tilespmem:s0+$0x0] =	vst v0;
	s0 =	sshra.s32 s2, $0x2;
	s2 =	sadd.s32 $0x40, s2  }
0x21: {  	v0 =	vld [tilespmem:s0+$0x0];
	_ =	sdelay $0x4  }
0x22: {  	v0 =	vmul.f32 $1.442695020e+00, v0;
	_ =	sdelay $0x1  }
0x23: {  	(erf) = vpow2.f32 v0;
	_ =	sdelay $0x8  }
0x24: {  	v0 =	vpop (erf)  }
0x25: {  	s23 =	simm.s32 $0x0;
	[tilespmem:s0+$0x0] =	vst v0  }
.LBB2_4:
0x26: {  	s0 =	smulhi.u32 $0xAAAAAAAB, s23;
	_ =	sdelay $0x1  }
0x27: {  	s0 =	sshrl.u32 s0, $0x1  }
0x28: {  	s0 =	smul.u32 $0x3, s0;
	_ =	sdelay $0x1  }
0x29: {  	s26 =	ssub.s32 s23, s0  }
0x2a: {  	s24 =	sadd.s32 $0x1, s26  }
0x2b: {  	_ =	swait.ge [sflag:s24], $0x2000  }
0x2c: {  	p1 =	slt.u32 s23, $0x3;
	s2 =	sand.u32 $0x1C00, s22;
	[sflag:s24] =	ssyncset.done $0x0  }
0x2d: {  	s25 =	sshll.u32 s26, $0xD;
	s0 =	sadd.s32 @!p1 $0x4, s26;
	[sflag:s24] =	ssyncadd.s32 $0xFFFFE000  }
0x2e: {  	s2 =	sor.u32 s25, s2;
	_ =	swait.ge @!p1 [sflag:s0], $0x2000  }
0x2f: {  	s28 =	sor.u32 s2, s22;
	[sflag:s0] =	ssyncset.done @!p1 $0x0  }
0x30: {  	s14 =	sand.u32 $0x380, s22;
	s29 =	sor.u32 $0x70, s28;
	[sflag:s0] =	ssyncadd.s32 @!p1 $0xFFFFE000  }
0x31: {  	s28 =	sor.u32 s14, s2;
	v4 =	vld [tilespmem:s29+$0x400]  }
0x32: {  	v5 =	vld [tilespmem:s28+$0x400]  }
0x33: {  	v8 =	vld [tilespmem:s28+$0x410]  }
0x34: {  	v9 =	vld [tilespmem:s28+$0x420]  }
0x35: {  	v2 =	vld [tilespmem:s28+$0x430]  }
0x36: {  	s15 =	sshll.u32 s23, $0x5;
	v3 =	vld [tilespmem:s28+$0x440]  }
0x37: {  	s0 =	sor.u32 s6, s15;
	v1 =	vld [tilespmem:s28+$0x450]  }
0x38: {  	p6 =	seq.s32 s0, $0x0;
	v0 =	vld [tilespmem:s28+$0x460]  }
0x39: {  	p1 =	por !p6, !p0;
	v7 =	vld.idx.msk [tilespmem:v4+s5+$0x0], $0xffff  }
0x3a: {  	s2 =	simm.s32 $0x1;
	p1 =	por !p1, !p1;
	v6 =	vld.idx.msk [tilespmem:v5+s5+$0x0], $0xffff  }
0x3b: {  	s31 =	simm.s32 $0x0;
	s0 =	sshrl.u32 s0, $0x4;
	s2 =	simm.s32 @!p1 $0x0;
	v4 =	vld.idx.msk [tilespmem:v8+s5+$0x0], $0xffff  }
0x3c: {  	s30 =	ssub.s32 s0, s2;
	s0 =	simm.s32 $0x400;
	s2 =	simm.s32 $0x0;
	v5 =	vld.idx.msk [tilespmem:v9+s5+$0x0], $0xffff  }
.LBB2_5:
0x3d: {  	s3 =	sand.u32 $0x1C00, s0;
	s31 =	sadd.s32 $0x8, s31;
	v2 =	vld.idx.msk [tilespmem:v2+s5+$0x0], $0xffff  }
0x3e: {  	s2 =	sadd.s32 $0x10, s2;
	s3 =	sor.u32 s25, s3;
	p1 =	slt.u32 s31, $0x1F8;
	v3 =	vld.idx.msk [tilespmem:v3+s5+$0x0], $0xffff  }
0x3f: {  	s14 =	sand.u32 $0x380, s2;
	s15 =	sor.u32 s3, s2;
	v1 =	vld.idx.msk [tilespmem:v1+s5+$0x0], $0xffff;
	[tilespmem:s29+$0x6400] =	vst v7  }
0x40: {  	s3 =	sor.u32 s14, s3;
	s29 =	sor.u32 $0x70, s15;
	[tilespmem:s28+$0x6400] =	vst v6;
	v0 =	vld.idx.msk [tilespmem:v0+s5+$0x0], $0xffff  }
0x41: {  	v6 =	vld [tilespmem:s29+$0x400];
	[tilespmem:s28+$0x6410] =	vst v4  }
0x42: {  	v4 =	vld [tilespmem:s3+$0x400];
	[tilespmem:s28+$0x6420] =	vst v5  }
0x43: {  	v5 =	vld [tilespmem:s3+$0x410];
	[tilespmem:s28+$0x6430] =	vst v2  }
0x44: {  	v8 =	vld [tilespmem:s3+$0x420];
	[tilespmem:s28+$0x6440] =	vst v3  }
0x45: {  	v2 =	vld [tilespmem:s3+$0x430];
	[tilespmem:s28+$0x6450] =	vst v1  }
0x46: {  	v3 =	vld [tilespmem:s3+$0x440];
	[tilespmem:s28+$0x6460] =	vst v0;
	s28 =	smov.u32 s3  }
0x47: {  	v1 =	vld [tilespmem:s28+$0x450]  }
.Ltmp1:
0x48: {  	v0 =	vld [tilespmem:s28+$0x460];
	(pc) =	sbr.rel @p1 .LBB2_5-.Ltmp1, $4  }
0x49: {  	v7 =	vld.idx.msk [tilespmem:v6+s5+$0x0], $0xffff  }
0x4a: {  	v6 =	vld.idx.msk [tilespmem:v4+s5+$0x0], $0xffff  }
0x4b: {  	v4 =	vld.idx.msk [tilespmem:v5+s5+$0x0], $0xffff  }
0x4c: {  	s0 =	sadd.s32 $0x400, s0;
	v5 =	vld.idx.msk [tilespmem:v8+s5+$0x0], $0xffff  }
0x4d: {  	_ =	sdelay $0x3  }
0x4e: {  	v2 =	vld.idx.msk [tilespmem:v2+s5+$0x0], $0xffff  }
0x4f: {  	v3 =	vld.idx.msk [tilespmem:v3+s5+$0x0], $0xffff;
	[tilespmem:s29+$0x6400] =	vst v7  }
0x50: {  	v1 =	vld.idx.msk [tilespmem:v1+s5+$0x0], $0xffff;
	[tilespmem:s28+$0x6400] =	vst v6  }
0x51: {  	v0 =	vld.idx.msk [tilespmem:v0+s5+$0x0], $0xffff;
	[tilespmem:s28+$0x6410] =	vst v4  }
0x52: {  	[tilespmem:s28+$0x6420] =	vst v5  }
0x53: {  	s0 =	sshll.u32 s30, $0x11;
	[tilespmem:s28+$0x6430] =	vst v2  }
0x54: {  	s0 =	sor.u32 s12, s0;
	[tilespmem:s28+$0x6440] =	vst v3  }
0x55: {  	s0 =	sshrl.u32 s0, $0x3;
	[tilespmem:s28+$0x6450] =	vst v1  }
0x56: {  	s2 =	sadd.s32 $0x6400, s25;
	s3 =	sadd.s32 $0x4, s26;
	s0 =	sadd.s32 s4, s0;
	[tilespmem:s28+$0x6460] =	vst v0  }
0x57: {  	[hbm4b:s0+s5] =	stream.linear.scatter [tilespmem:s2], [sflag:s3], $0x2000, $0x38;
	[tilespmem:$0xC400] =	vst v63  }
0x58: {  	s0 =	sadd.s32 $0x3, s23  }
0x59: {  	p1 =	sge.u32 s0, s7  }
0x5a: {  	s0 =	sshll.u32 @!p1 s0, $0x12  }
0x5b: {  	s0 =	sor.u32 @!p1 s0, s13  }
0x5c: {  	s0 =	sor.u32 @!p1 s12, s0  }
0x5d: {  	s23 =	sadd.s32 $0x1, s23;
	s0 =	sshrl.u32 @!p1 s0, $0x3  }
0x5e: {  	s2 =	sadd.s32 @!p1 $0x400, s25;
	s3 =	simm.s32 @!p1 $0x0;
	s0 =	sadd.s32 @!p1 s1, s0  }
0x5f: {  	[tilespmem:s2], [sflag:s24] =	stream.linear.gather @!p1 [hbm4b:s0+s3], $0x2000, $0x38;
	[tilespmem:$0xC400] =	vst v63  }
0x60: {  	p1 =	sne.s32 s23, s7  }
.Ltmp2:
0x61: {  	_ = 	snop;
	(pc) =	sbr.rel @p1 .LBB2_4-.Ltmp2, $1  }
0x62: {  	_ =	sdelay $0x3  }
0x63: {  	_ =	swait.ge [sflag:s18], $0x2000  }
0x64: {  	[sflag:s18] =	ssyncset.done $0x0  }
0x65: {  	s21 =	sadd.s32 $0x1, s21;
	[sflag:s18] =	ssyncadd.s32 $0xFFFFE000  }
0x66: {  	p1 =	sne.s32 s21, s11;
	_ =	swait.ge [sflag:s19], $0x2000  }
.Ltmp3:
0x67: {  	[sflag:s19] =	ssyncset.done $0x0;
	(pc) =	sbr.rel @p1 .LBB2_1-.Ltmp3, $4  }
0x68: {  	[sflag:s19] =	ssyncadd.s32 $0xFFFFE000  }
0x69: {  	_ =	swait.ge [sflag:s20], $0x2000  }
0x6a: {  	[sflag:s20] =	ssyncset.done $0x0  }
0x6b: {  	[sflag:s20] =	ssyncadd.s32 $0xFFFFE000  }
0x6c: {  	_ =	sfence.sel $0x180000  }
0x6d: {  	[bflag:$0x0] =	sbarrier.arrive $0xFFFF  }
0x6e: {  	_ =	strace $0x90000047  }
0x6f: {  	s0 =	stileid.u32;
	[bflag:$0x2] =	sbarrier.arrive $0xFFFF  }
0x70: {  	p0 =	sne.s32 s0, $0x0;
	s0 =	rddreg [dreg:$0x3]  }
0x71: {  	s0 =	sadd.s32 @!p0 $0x100000, s0  }
0x72: {  	[sflag:s0] =	ssyncadd.tile.s32 @!p0 $0x1;
	_ =	shalt  }
.Lfunc_end2:
_tile_overlayer_lowered:
.L_overlay_start_2:
0x73: {  	(tag) =	ssettag $0x2  }
0x74: {  	s0 =	rddreg [dreg:$0x0];
	s2 =	stileid.u32  }
0x75: {  	s1 =	rddreg [dreg:$0x1];
	p0 =	sne.s32 s2, $0x0  }
0x76: {  	s3 =	rddreg [dreg:$0x2];
	[bflag:$0x3] =	sbarrier.arrive $0xFFFF;
	s2 =	simm.s32 @!p0 $0x1C07  }
0x77: {  	[timem:s3], [sflag:s2] =	dma.local @!p0 [hbm:s0], s1  }
0x78: {  	s0 =	simm.s32 @!p0 $0x7  }
0x79: {  	_ =	swait.ge @!p0 [sflag:s0], s1  }
0x7a: {  	s1 =	ssub.s32 @!p0 $0x0, s1;
	[sflag:s0] =	ssyncset.done @!p0 $0x0  }
0x7b: {  	[sflag:s0] =	ssyncadd.s32 @!p0 s1  }
0x7c: {  	[bflag:$0x3] =	sbarrier.arrive $0xFFFF  }
0x7d: {  	_ =	shalt  }

</sc_bundles>
